<compile_context>
chip_gen: v7x
topology: tpu7x:2x2x1
jax: 0.10.2.dev20260603
libtpu: 0.0.44.dev20260713+nightly
codegen_flags: <defaults>
</compile_context>

<pallas_src>
import functools

import jax
import jax.numpy as jnp
from jax import lax
from jax.experimental import pallas as pl
from jax.experimental.pallas import tpu as pltpu
from jax.experimental.pallas import tpu_sc as plsc

EPS = 1e-7

N_ANCHORS = 36864
NC, NS, L = 2, 16, 16
NW = NC * NS
APW = N_ANCHORS // NW
CPW = APW * 4


def _sc_regression_body(scores_hbm, ob_hbm, tb_hbm, out_hbm,
                        sc_v, ob_v, tb_v, ps_v, res_v,
                        sem_s, sem_ob, sem_tb):
    wid = lax.axis_index("s") * NC + lax.axis_index("c")
    base_a = wid * APW
    base_c = wid * CPW

    cp_s = pltpu.async_copy(scores_hbm.at[pl.ds(base_a, APW)], sc_v, sem_s)
    cp_ob = pltpu.async_copy(ob_hbm.at[0, :, pl.ds(wid * 2, 2), :], ob_v,
                             sem_ob)
    cp_tb = pltpu.async_copy(tb_hbm.at[pl.ds(base_c, CPW)], tb_v, sem_tb)
    obf = ob_v.reshape(72, 64)

    zeros = jnp.zeros((L,), jnp.float32)
    lane4 = lax.iota(jnp.int32, L) * 4

    cp_s.wait()

    @plsc.parallel_loop(0, APW // L, unroll=4, carry=(zeros, zeros))
    def score_loop(i, carry):
        accp, accv = carry
        s = sc_v[pl.ds(i * L, L)]
        valid = jnp.where(s != -1.0, 1.0, 0.0)
        ps = jnp.where(s > 0.0, valid, 0.0)
        ps_v[pl.ds(i * L, L)] = ps
        return (accp + ps, accv + valid)

    accp, accv = score_loop

    cp_ob.wait()
    cp_tb.wait()

    iota = lax.iota(jnp.int32, L)

    @plsc.parallel_loop(0, CPW // L, unroll=8, carry=zeros)
    def box_loop(i, acca):
        off = 128 * (i // 32) + 16 * (i % 8)
        c = (i // 8) % 4
        n = off + iota
        r = n // 9
        j = n - r * 9
        o = plsc.load_gather(obf, [j * 8 + (c * 2 + (r >> 6)), r & 63])
        d = jnp.abs(tb_v[pl.ds(i * L, L)] - o)
        sl1 = jnp.where(d < 1.0, 0.5 * d * d, d - 0.5)
        w = ps_v[pl.ds(off, L)]
        return acca + w * sl1

    acca = box_loop

    res_v[pl.ds(0, L)] = acca
    res_v[pl.ds(L, L)] = accp
    res_v[pl.ds(2 * L, L)] = accv
    pltpu.sync_copy(res_v, out_hbm.at[wid])


@functools.lru_cache(maxsize=1)
def _sc_regression():
    return pl.kernel(
        _sc_regression_body,
        compiler_params=pltpu.CompilerParams(needs_layout_passes=False,
                                             use_tc_tiling_on_sc=True),
        out_type=jax.ShapeDtypeStruct((NW, 3 * L), jnp.float32),
        mesh=plsc.VectorSubcoreMesh(core_axis_name="c", subcore_axis_name="s",
                                    num_cores=NC, num_subcores=NS),
        scratch_types=[
            pltpu.VMEM((APW,), jnp.float32),
            pltpu.VMEM((36, 2, 64), jnp.float32),
            pltpu.VMEM((CPW,), jnp.float32),
            pltpu.VMEM((APW,), jnp.float32),
            pltpu.VMEM((3 * L,), jnp.float32),
            pltpu.SemaphoreType.DMA,
            pltpu.SemaphoreType.DMA,
            pltpu.SemaphoreType.DMA,
        ],
    )


def _tc_bce_body(ts_ref, os_ref, part_ref, out_ref):
    t = ts_ref[...]
    p = jnp.clip(os_ref[...], EPS, 1.0 - EPS)
    bce = -(t * jnp.log(p) + (1.0 - t) * jnp.log(1.0 - p))
    mask = (t != -1.0).astype(jnp.float32)
    classification_loss = jnp.sum(bce * mask) / jnp.sum(mask)
    parts = part_ref[...].reshape(NW, 3, L)
    a = jnp.sum(parts[:, 0, :])
    bp = jnp.sum(parts[:, 1, :])
    vm = jnp.sum(parts[:, 2, :])
    regression_loss = 10.0 * (a / (bp + vm * EPS))
    out_ref[0, 0] = classification_loss + regression_loss


def _tc_bce(target_scores_2d, output_scores_2d, partials):
    return pl.pallas_call(
        _tc_bce_body,
        out_shape=jax.ShapeDtypeStruct((1, 1), jnp.float32),
        out_specs=pl.BlockSpec(memory_space=pltpu.SMEM),
    )(target_scores_2d, output_scores_2d, partials)


def _planar(boxes):
    return boxes.reshape(288, 128, 4).transpose(0, 2, 1).reshape(-1)


def kernel(output_bounding_boxes, target_bounding_boxes, output_scores, target_scores):
    scores = output_scores.reshape(-1)
    ob = output_bounding_boxes.transpose(0, 3, 1, 2)
    tb = _planar(target_bounding_boxes)

    partials = _sc_regression()(scores, ob, tb)
    scores_lin = lax.optimization_barrier(scores)
    loss = _tc_bce(target_scores.reshape(288, 128),
                   scores_lin.reshape(288, 128), partials)
    return loss.reshape(())

# --- scband reference (transcript-rebuilt; emitter-appended) ---
"""Pipeline reference for scband-rpn-33157147525908 (READ-ONLY COPY).

The authoritative reference and input builder live on the scoring server;
editing this copy changes nothing except your own understanding.
"""

import jax, jax.numpy as jnp
import numpy as np

EPS = 1e-7  # keras.backend.epsilon()


def setup_inputs(seed: int = 0) -> dict:
    key = jax.random.key(seed)
    k1, k2, k3, k4 = jax.random.split(key, 4)
    output_bounding_boxes = jax.random.normal(k1, (1, 64, 64, 36), dtype=jnp.float32)
    target_bounding_boxes = jax.random.normal(k2, (1, 36864, 4), dtype=jnp.float32)
    # sigmoid-like objectness probabilities in (0, 1)
    output_scores = jax.random.uniform(k3, (1, 64, 64, 9), dtype=jnp.float32, minval=0.01, maxval=0.99)
    # anchor labels in {-1 (ignore), 0 (negative), 1 (positive)}
    target_scores = (jax.random.randint(k4, (1, 36864), 0, 3) - 1).astype(jnp.float32)
    return {
        'output_bounding_boxes': output_bounding_boxes,
        'target_bounding_boxes': target_bounding_boxes,
        'output_scores': output_scores,
        'target_scores': target_scores,
    }


def _binary_crossentropy(target, output):
    output = jnp.clip(output, EPS, 1.0 - EPS)
    return -(target * jnp.log(output) + (1.0 - target) * jnp.log(1.0 - output))


def _smooth_l1_anchored(output, target):
    difference = jnp.abs(target - output)
    loss = jnp.where(difference < 1.0, 0.5 * difference * difference, difference - 0.5)
    return jnp.sum(loss, axis=-1)


def reference(output_bounding_boxes, target_bounding_boxes, output_scores, target_scores):
    out_scores = output_scores.reshape(1, -1)
    # classification loss: mean BCE over anchors with target != -1 (gather_nd -> mask)
    cls_mask = (target_scores != -1.0).astype(jnp.float32)
    bce = _binary_crossentropy(target_scores, out_scores)
    classification_loss = jnp.sum(bce * cls_mask) / jnp.sum(cls_mask)
    # regression loss
    out_boxes = output_bounding_boxes.reshape(1, -1, 4)
    valid_mask = (out_scores != -1.0).astype(jnp.float32)
    p_star_i = (out_scores > 0.0).astype(jnp.float32) * valid_mask
    a_y = _smooth_l1_anchored(out_boxes, target_bounding_boxes)  # (1, N)
    a = jnp.sum(p_star_i * a_y)
    b = jnp.sum(p_star_i) + jnp.sum(valid_mask) * EPS
    regression_loss = 10.0 * (a / b)
    loss = classification_loss + regression_loss
    return loss


if False:  # reference __main__ guard neutralized (emitter)
    out = reference(**setup_inputs())
    print(out)

if __name__ == "__main__":
    import jax
    _d = setup_inputs()
    print(jax.jit(kernel)(*tuple(_d.values())))

</pallas_src>

<mosaic_0001>
#map = affine_map<(d0, d1) -> (0)>
#map1 = affine_map<(d0, d1) -> (0, 0, 0, 0)>
#map2 = affine_map<(d0, d1) -> (0, 0)>
module attributes {stable_mosaic.version = 14 : i64} {
  func.func @_sc_regression_body(%arg0: i32, %arg1: i32, %arg2: memref<36864xf32, #tpu.memory_space<hbm>>, %arg3: memref<1x36x64x64xf32, #tpu.memory_space<hbm>>, %arg4: memref<147456xf32, #tpu.memory_space<hbm>>, %arg5: memref<32x48xf32, #tpu.memory_space<hbm>>, %arg6: memref<1152xf32, #tpu.memory_space<vmem>>, %arg7: memref<36x2x64xf32, #tpu.memory_space<vmem>>, %arg8: memref<4608xf32, #tpu.memory_space<vmem>>, %arg9: memref<1152xf32, #tpu.memory_space<vmem>>, %arg10: memref<48xf32, #tpu.memory_space<vmem>>, %arg11: memref<!tpu.dma_semaphore, #tpu.memory_space<semaphore_mem>>, %arg12: memref<!tpu.dma_semaphore, #tpu.memory_space<semaphore_mem>>, %arg13: memref<!tpu.dma_semaphore, #tpu.memory_space<semaphore_mem>>) attributes {dimension_semantics = [#tpu.dimension_semantics<core_parallel>, #tpu.dimension_semantics<subcore_parallel>], iteration_bounds = array<i64: 2, 16>, scalar_prefetch = 0 : i64, scratch_operands = 8 : i64, tpu.core_type = #tpu.core_type<sc_vector_subcore>, window_params = [{transform_indices = #map}, {transform_indices = #map1}, {transform_indices = #map}, {transform_indices = #map2}]} {
    %mul3A = arith.constant 2 : i32
    %mul3A_0 = arith.muli %arg1, %mul3A : i32
    %add3A = arith.addi %mul3A_0, %arg0 : i32
    %mul3A_1 = arith.constant 1152 : i32
    %mul3A_2 = arith.muli %add3A, %mul3A_1 : i32
    %mul3A_3 = arith.constant 4608 : i32
    %mul3A_4 = arith.muli %add3A, %mul3A_3 : i32
    %dma_start3A = tpu.memref_slice %arg2[%mul3A_2] : memref<36864xf32, #tpu.memory_space<hbm>> -> memref<1152xf32, #tpu.memory_space<hbm>>
    %dma_start3A_5 = tpu.memref_slice %arg2[%mul3A_2] : memref<36864xf32, #tpu.memory_space<hbm>> -> memref<1152xf32, #tpu.memory_space<hbm>>
    tpu.enqueue_dma source(%dma_start3A_5 : memref<1152xf32, #tpu.memory_space<hbm>>) target(%arg6 : memref<1152xf32, #tpu.memory_space<vmem>>) target_semaphore(%arg11 : memref<!tpu.dma_semaphore, #tpu.memory_space<semaphore_mem>>)
    %mul3A_6 = arith.constant 2 : i32
    %mul3A_7 = arith.muli %add3A, %mul3A_6 : i32
    %dma_start3A_8 = arith.constant 0 : i32
    %dma_start3A_9 = arith.constant 0 : i32
    %dma_start3A_10 = arith.constant 0 : i32
    %dma_start3A_11 = tpu.memref_slice %arg3[%dma_start3A_8, %dma_start3A_9, %mul3A_7, %dma_start3A_10] : memref<1x36x64x64xf32, #tpu.memory_space<hbm>> -> memref<1x36x2x64xf32, #tpu.memory_space<hbm>>
    %dma_start3A_12 = tpu.memref_squeeze %dma_start3A_11 : memref<1x36x2x64xf32, #tpu.memory_space<hbm>> -> memref<36x2x64xf32, #tpu.memory_space<hbm>>
    %dma_start3A_13 = arith.constant 0 : i32
    %dma_start3A_14 = arith.constant 0 : i32
    %dma_start3A_15 = tpu.memref_slice %arg3[%dma_start3A_8, %dma_start3A_13, %mul3A_7, %dma_start3A_14] : memref<1x36x64x64xf32, #tpu.memory_space<hbm>> -> memref<1x36x2x64xf32, #tpu.memory_space<hbm>>
    %dma_start3A_16 = tpu.memref_squeeze %dma_start3A_15 : memref<1x36x2x64xf32, #tpu.memory_space<hbm>> -> memref<36x2x64xf32, #tpu.memory_space<hbm>>
    tpu.enqueue_dma source(%dma_start3A_16 : memref<36x2x64xf32, #tpu.memory_space<hbm>>) target(%arg7 : memref<36x2x64xf32, #tpu.memory_space<vmem>>) target_semaphore(%arg12 : memref<!tpu.dma_semaphore, #tpu.memory_space<semaphore_mem>>)
    %dma_start3A_17 = tpu.memref_slice %arg4[%mul3A_4] : memref<147456xf32, #tpu.memory_space<hbm>> -> memref<4608xf32, #tpu.memory_space<hbm>>
    %dma_start3A_18 = tpu.memref_slice %arg4[%mul3A_4] : memref<147456xf32, #tpu.memory_space<hbm>> -> memref<4608xf32, #tpu.memory_space<hbm>>
    tpu.enqueue_dma source(%dma_start3A_18 : memref<4608xf32, #tpu.memory_space<hbm>>) target(%arg8 : memref<4608xf32, #tpu.memory_space<vmem>>) target_semaphore(%arg13 : memref<!tpu.dma_semaphore, #tpu.memory_space<semaphore_mem>>)
    %broadcast_in_dim3A = arith.constant 0.000000e+00 : f32
    %broadcast_in_dim3A_19 = vector.broadcast %broadcast_in_dim3A : f32 to vector<16xf32>
    %iota3A = tpu.iota {dimensions = array<i32: 0>} : vector<16xi32>
    %mul3A_20 = arith.constant 4 : i32
    %mul3A_21 = vector.broadcast %mul3A_20 : i32 to vector<16xi32>
    %mul3A_22 = arith.muli %iota3A, %mul3A_21 : vector<16xi32>
    %dma_wait3A = tpu.memref_slice %arg2[%mul3A_2] : memref<36864xf32, #tpu.memory_space<hbm>> -> memref<1152xf32, #tpu.memory_space<hbm>>
    %dma_wait3A_23 = tpu.memref_slice %arg2[%mul3A_2] : memref<36864xf32, #tpu.memory_space<hbm>> -> memref<1152xf32, #tpu.memory_space<hbm>>
    tpu.wait_dma2 semaphore(%arg11 : memref<!tpu.dma_semaphore, #tpu.memory_space<semaphore_mem>>) src(%dma_wait3A_23 : memref<1152xf32, #tpu.memory_space<hbm>>) dst(%arg6 : memref<1152xf32, #tpu.memory_space<vmem>>)
    %parallel_loop3A = arith.constant 0 : i32
    %parallel_loop3A_24 = arith.constant 72 : i32
    %parallel_loop3A_25 = arith.constant 1 : i32
    %parallel_loop3A_26:2 = scf.for %parallel_loop3A_48 = %parallel_loop3A to %parallel_loop3A_24 step %parallel_loop3A_25 iter_args(%parallel_loop3A_49 = %broadcast_in_dim3A_19, %parallel_loop3A_50 = %broadcast_in_dim3A_19) -> (vector<16xf32>, vector<16xf32>)  : i32 {
      %parallel_loop3A_51 = arith.constant 16 : i32
      %parallel_loop3A_52 = arith.muli %parallel_loop3A_48, %parallel_loop3A_51 : i32
      %parallel_loop3A_53 = arith.index_cast %parallel_loop3A_52 : i32 to index
      %parallel_loop3A_54 = tpu.vector_load %arg6[%parallel_loop3A_53] {strides = array<i32>} : memref<1152xf32, #tpu.memory_space<vmem>>, vector<16xf32>,
      %parallel_loop3A_55 = arith.constant -1.000000e+00 : f32
      %parallel_loop3A_56 = vector.broadcast %parallel_loop3A_55 : f32 to vector<16xf32>
      %parallel_loop3A_57 = arith.cmpf one, %parallel_loop3A_54, %parallel_loop3A_56 : vector<16xf32>
      %parallel_loop3A_58 = arith.constant 1.000000e+00 : f32
      %parallel_loop3A_59 = arith.constant 0.000000e+00 : f32
      %parallel_loop3A_60 = vector.broadcast %parallel_loop3A_58 : f32 to vector<16xf32>
      %parallel_loop3A_61 = vector.broadcast %parallel_loop3A_59 : f32 to vector<16xf32>
      %parallel_loop3A_62 = arith.select %parallel_loop3A_57, %parallel_loop3A_60, %parallel_loop3A_61 : vector<16xi1>, vector<16xf32>
      %parallel_loop3A_63 = arith.constant 0.000000e+00 : f32
      %parallel_loop3A_64 = vector.broadcast %parallel_loop3A_63 : f32 to vector<16xf32>
      %parallel_loop3A_65 = arith.cmpf ogt, %parallel_loop3A_54, %parallel_loop3A_64 : vector<16xf32>
      %parallel_loop3A_66 = arith.constant 0.000000e+00 : f32
      %parallel_loop3A_67 = vector.broadcast %parallel_loop3A_66 : f32 to vector<16xf32>
      %parallel_loop3A_68 = arith.select %parallel_loop3A_65, %parallel_loop3A_62, %parallel_loop3A_67 : vector<16xi1>, vector<16xf32>
      %parallel_loop3A_69 = arith.constant 16 : i32
      %parallel_loop3A_70 = arith.muli %parallel_loop3A_48, %parallel_loop3A_69 : i32
      %parallel_loop3A_71 = arith.index_cast %parallel_loop3A_70 : i32 to index
      %parallel_loop3A_72 = tpu.vector_load %arg9[%parallel_loop3A_71] {strides = array<i32>} : memref<1152xf32, #tpu.memory_space<vmem>>, vector<16xf32>,
      tpu.vector_store %arg9[%parallel_loop3A_71], %parallel_loop3A_68 {strides = array<i32>} : memref<1152xf32, #tpu.memory_space<vmem>>, vector<16xf32>,
      %parallel_loop3A_73 = arith.addf %parallel_loop3A_49, %parallel_loop3A_68 : vector<16xf32>
      %parallel_loop3A_74 = arith.addf %parallel_loop3A_50, %parallel_loop3A_62 : vector<16xf32>
      scf.yield %parallel_loop3A_73, %parallel_loop3A_74 : vector<16xf32>, vector<16xf32>
    } {sc.loop_unroll_factor = 4 : i64, sc.parallel_access}
    %dma_wait3A_27 = arith.constant 0 : i32
    %dma_wait3A_28 = arith.constant 0 : i32
    %dma_wait3A_29 = arith.constant 0 : i32
    %dma_wait3A_30 = tpu.memref_slice %arg3[%dma_wait3A_27, %dma_wait3A_28, %mul3A_7, %dma_wait3A_29] : memref<1x36x64x64xf32, #tpu.memory_space<hbm>> -> memref<1x36x2x64xf32, #tpu.memory_space<hbm>>
    %dma_wait3A_31 = tpu.memref_squeeze %dma_wait3A_30 : memref<1x36x2x64xf32, #tpu.memory_space<hbm>> -> memref<36x2x64xf32, #tpu.memory_space<hbm>>
    %dma_wait3A_32 = arith.constant 0 : i32
    %dma_wait3A_33 = arith.constant 0 : i32
    %dma_wait3A_34 = tpu.memref_slice %arg3[%dma_wait3A_27, %dma_wait3A_32, %mul3A_7, %dma_wait3A_33] : memref<1x36x64x64xf32, #tpu.memory_space<hbm>> -> memref<1x36x2x64xf32, #tpu.memory_space<hbm>>
    %dma_wait3A_35 = tpu.memref_squeeze %dma_wait3A_34 : memref<1x36x2x64xf32, #tpu.memory_space<hbm>> -> memref<36x2x64xf32, #tpu.memory_space<hbm>>
    tpu.wait_dma2 semaphore(%arg12 : memref<!tpu.dma_semaphore, #tpu.memory_space<semaphore_mem>>) src(%dma_wait3A_35 : memref<36x2x64xf32, #tpu.memory_space<hbm>>) dst(%arg7 : memref<36x2x64xf32, #tpu.memory_space<vmem>>)
    %dma_wait3A_36 = tpu.memref_slice %arg4[%mul3A_4] : memref<147456xf32, #tpu.memory_space<hbm>> -> memref<4608xf32, #tpu.memory_space<hbm>>
    %dma_wait3A_37 = tpu.memref_slice %arg4[%mul3A_4] : memref<147456xf32, #tpu.memory_space<hbm>> -> memref<4608xf32, #tpu.memory_space<hbm>>
    tpu.wait_dma2 semaphore(%arg13 : memref<!tpu.dma_semaphore, #tpu.memory_space<semaphore_mem>>) src(%dma_wait3A_37 : memref<4608xf32, #tpu.memory_space<hbm>>) dst(%arg8 : memref<4608xf32, #tpu.memory_space<vmem>>)
    %iota3A_38 = tpu.iota {dimensions = array<i32: 0>} : vector<16xi32>
    %parallel_loop3A_39 = arith.constant 0 : i32
    %parallel_loop3A_40 = arith.constant 288 : i32
    %parallel_loop3A_41 = arith.constant 1 : i32
    %parallel_loop3A_42 = scf.for %parallel_loop3A_48 = %parallel_loop3A_39 to %parallel_loop3A_40 step %parallel_loop3A_41 iter_args(%parallel_loop3A_49 = %broadcast_in_dim3A_19) -> (vector<16xf32>)  : i32 {
      %parallel_loop3A_50 = arith.constant 32 : i32
      %parallel_loop3A_51 = arith.divsi %parallel_loop3A_48, %parallel_loop3A_50 : i32
      %parallel_loop3A_52 = arith.constant 0 : i32
      %parallel_loop3A_53 = arith.cmpi sgt, %parallel_loop3A_48, %parallel_loop3A_52 : i32
      %parallel_loop3A_54 = arith.extui %parallel_loop3A_53 : i1 to i32
      %parallel_loop3A_55 = arith.constant 0 : i32
      %parallel_loop3A_56 = arith.cmpi slt, %parallel_loop3A_48, %parallel_loop3A_55 : i32
      %parallel_loop3A_57 = arith.extui %parallel_loop3A_56 : i1 to i32
      %parallel_loop3A_58 = arith.subi %parallel_loop3A_54, %parallel_loop3A_57 : i32
      %parallel_loop3A_59 = arith.constant 0 : i32
      %parallel_loop3A_60 = arith.cmpi sgt, %parallel_loop3A_50, %parallel_loop3A_59 : i32
      %parallel_loop3A_61 = arith.extui %parallel_loop3A_60 : i1 to i32
      %parallel_loop3A_62 = arith.constant 0 : i32
      %parallel_loop3A_63 = arith.cmpi slt, %parallel_loop3A_50, %parallel_loop3A_62 : i32
      %parallel_loop3A_64 = arith.extui %parallel_loop3A_63 : i1 to i32
      %parallel_loop3A_65 = arith.subi %parallel_loop3A_61, %parallel_loop3A_64 : i32
      %parallel_loop3A_66 = arith.cmpi ne, %parallel_loop3A_58, %parallel_loop3A_65 : i32
      %parallel_loop3A_67 = arith.remsi %parallel_loop3A_48, %parallel_loop3A_50 : i32
      %parallel_loop3A_68 = arith.constant 0 : i32
      %parallel_loop3A_69 = arith.cmpi ne, %parallel_loop3A_67, %parallel_loop3A_68 : i32
      %parallel_loop3A_70 = arith.andi %parallel_loop3A_66, %parallel_loop3A_69 : i1
      %parallel_loop3A_71 = arith.constant 1 : i32
      %parallel_loop3A_72 = arith.subi %parallel_loop3A_51, %parallel_loop3A_71 : i32
      %parallel_loop3A_73 = arith.select %parallel_loop3A_70, %parallel_loop3A_72, %parallel_loop3A_51 : i32
      %parallel_loop3A_74 = arith.constant 128 : i32
      %parallel_loop3A_75 = arith.muli %parallel_loop3A_74, %parallel_loop3A_73 : i32
      %parallel_loop3A_76 = arith.constant 8 : i32
      %parallel_loop3A_77 = arith.constant 0 : i32
      %parallel_loop3A_78 = arith.cmpi eq, %parallel_loop3A_76, %parallel_loop3A_77 : i32
      %parallel_loop3A_79 = arith.constant 1 : i32
      %parallel_loop3A_80 = arith.select %parallel_loop3A_78, %parallel_loop3A_79, %parallel_loop3A_76 : i32
      %parallel_loop3A_81 = arith.remsi %parallel_loop3A_48, %parallel_loop3A_80 : i32
      %parallel_loop3A_82 = arith.constant 0 : i32
      %parallel_loop3A_83 = arith.cmpi ne, %parallel_loop3A_81, %parallel_loop3A_82 : i32
      %parallel_loop3A_84 = arith.constant 0 : i32
      %parallel_loop3A_85 = arith.cmpi slt, %parallel_loop3A_81, %parallel_loop3A_84 : i32
      %parallel_loop3A_86 = arith.constant 0 : i32
      %parallel_loop3A_87 = arith.cmpi slt, %parallel_loop3A_80, %parallel_loop3A_86 : i32
      %parallel_loop3A_88 = arith.xori %parallel_loop3A_85, %parallel_loop3A_87 : i1
      %parallel_loop3A_89 = arith.andi %parallel_loop3A_88, %parallel_loop3A_83 : i1
      %parallel_loop3A_90 = arith.addi %parallel_loop3A_81, %parallel_loop3A_80 : i32
      %parallel_loop3A_91 = arith.select %parallel_loop3A_89, %parallel_loop3A_90, %parallel_loop3A_81 : i32
      %parallel_loop3A_92 = arith.constant 16 : i32
      %parallel_loop3A_93 = arith.muli %parallel_loop3A_92, %parallel_loop3A_91 : i32
      %parallel_loop3A_94 = arith.addi %parallel_loop3A_75, %parallel_loop3A_93 : i32
      %parallel_loop3A_95 = arith.constant 8 : i32
      %parallel_loop3A_96 = arith.divsi %parallel_loop3A_48, %parallel_loop3A_95 : i32
      %parallel_loop3A_97 = arith.constant 0 : i32
      %parallel_loop3A_98 = arith.cmpi sgt, %parallel_loop3A_48, %parallel_loop3A_97 : i32
      %parallel_loop3A_99 = arith.extui %parallel_loop3A_98 : i1 to i32
      %parallel_loop3A_100 = arith.constant 0 : i32
      %parallel_loop3A_101 = arith.cmpi slt, %parallel_loop3A_48, %parallel_loop3A_100 : i32
      %parallel_loop3A_102 = arith.extui %parallel_loop3A_101 : i1 to i32
      %parallel_loop3A_103 = arith.subi %parallel_loop3A_99, %parallel_loop3A_102 : i32
      %parallel_loop3A_104 = arith.constant 0 : i32
      %parallel_loop3A_105 = arith.cmpi sgt, %parallel_loop3A_95, %parallel_loop3A_104 : i32
      %parallel_loop3A_106 = arith.extui %parallel_loop3A_105 : i1 to i32
      %parallel_loop3A_107 = arith.constant 0 : i32
      %parallel_loop3A_108 = arith.cmpi slt, %parallel_loop3A_95, %parallel_loop3A_107 : i32
      %parallel_loop3A_109 = arith.extui %parallel_loop3A_108 : i1 to i32
      %parallel_loop3A_110 = arith.subi %parallel_loop3A_106, %parallel_loop3A_109 : i32
      %parallel_loop3A_111 = arith.cmpi ne, %parallel_loop3A_103, %parallel_loop3A_110 : i32
      %parallel_loop3A_112 = arith.remsi %parallel_loop3A_48, %parallel_loop3A_95 : i32
      %parallel_loop3A_113 = arith.constant 0 : i32
      %parallel_loop3A_114 = arith.cmpi ne, %parallel_loop3A_112, %parallel_loop3A_113 : i32
      %parallel_loop3A_115 = arith.andi %parallel_loop3A_111, %parallel_loop3A_114 : i1
      %parallel_loop3A_116 = arith.constant 1 : i32
      %parallel_loop3A_117 = arith.subi %parallel_loop3A_96, %parallel_loop3A_116 : i32
      %parallel_loop3A_118 = arith.select %parallel_loop3A_115, %parallel_loop3A_117, %parallel_loop3A_96 : i32
      %parallel_loop3A_119 = arith.constant 4 : i32
      %parallel_loop3A_120 = arith.constant 0 : i32
      %parallel_loop3A_121 = arith.cmpi eq, %parallel_loop3A_119, %parallel_loop3A_120 : i32
      %parallel_loop3A_122 = arith.constant 1 : i32
      %parallel_loop3A_123 = arith.select %parallel_loop3A_121, %parallel_loop3A_122, %parallel_loop3A_119 : i32
      %parallel_loop3A_124 = arith.remsi %parallel_loop3A_118, %parallel_loop3A_123 : i32
      %parallel_loop3A_125 = arith.constant 0 : i32
      %parallel_loop3A_126 = arith.cmpi ne, %parallel_loop3A_124, %parallel_loop3A_125 : i32
      %parallel_loop3A_127 = arith.constant 0 : i32
      %parallel_loop3A_128 = arith.cmpi slt, %parallel_loop3A_124, %parallel_loop3A_127 : i32
      %parallel_loop3A_129 = arith.constant 0 : i32
      %parallel_loop3A_130 = arith.cmpi slt, %parallel_loop3A_123, %parallel_loop3A_129 : i32
      %parallel_loop3A_131 = arith.xori %parallel_loop3A_128, %parallel_loop3A_130 : i1
      %parallel_loop3A_132 = arith.andi %parallel_loop3A_131, %parallel_loop3A_126 : i1
      %parallel_loop3A_133 = arith.addi %parallel_loop3A_124, %parallel_loop3A_123 : i32
      %parallel_loop3A_134 = arith.select %parallel_loop3A_132, %parallel_loop3A_133, %parallel_loop3A_124 : i32
      %parallel_loop3A_135 = vector.broadcast %parallel_loop3A_94 : i32 to vector<16xi32>
      %parallel_loop3A_136 = arith.addi %parallel_loop3A_135, %iota3A_38 : vector<16xi32>
      %parallel_loop3A_137 = arith.constant 9 : i32
      %parallel_loop3A_138 = vector.broadcast %parallel_loop3A_137 : i32 to vector<16xi32>
      %parallel_loop3A_139 = arith.divsi %parallel_loop3A_136, %parallel_loop3A_138 : vector<16xi32>
      %parallel_loop3A_140 = arith.constant 0 : i32
      %parallel_loop3A_141 = vector.broadcast %parallel_loop3A_140 : i32 to vector<16xi32>
      %parallel_loop3A_142 = arith.cmpi sgt, %parallel_loop3A_136, %parallel_loop3A_141 : vector<16xi32>
      %parallel_loop3A_143 = arith.extui %parallel_loop3A_142 : vector<16xi1> to vector<16xi32>
      %parallel_loop3A_144 = arith.constant 0 : i32
      %parallel_loop3A_145 = vector.broadcast %parallel_loop3A_144 : i32 to vector<16xi32>
      %parallel_loop3A_146 = arith.cmpi slt, %parallel_loop3A_136, %parallel_loop3A_145 : vector<16xi32>
      %parallel_loop3A_147 = arith.extui %parallel_loop3A_146 : vector<16xi1> to vector<16xi32>
      %parallel_loop3A_148 = arith.subi %parallel_loop3A_143, %parallel_loop3A_147 : vector<16xi32>
      %parallel_loop3A_149 = arith.constant 0 : i32
      %parallel_loop3A_150 = arith.cmpi sgt, %parallel_loop3A_137, %parallel_loop3A_149 : i32
      %parallel_loop3A_151 = arith.extui %parallel_loop3A_150 : i1 to i32
      %parallel_loop3A_152 = arith.constant 0 : i32
      %parallel_loop3A_153 = arith.cmpi slt, %parallel_loop3A_137, %parallel_loop3A_152 : i32
      %parallel_loop3A_154 = arith.extui %parallel_loop3A_153 : i1 to i32
      %parallel_loop3A_155 = arith.subi %parallel_loop3A_151, %parallel_loop3A_154 : i32
      %parallel_loop3A_156 = vector.broadcast %parallel_loop3A_155 : i32 to vector<16xi32>
      %parallel_loop3A_157 = arith.cmpi ne, %parallel_loop3A_148, %parallel_loop3A_156 : vector<16xi32>
      %parallel_loop3A_158 = vector.broadcast %parallel_loop3A_137 : i32 to vector<16xi32>
      %parallel_loop3A_159 = arith.remsi %parallel_loop3A_136, %parallel_loop3A_158 : vector<16xi32>
      %parallel_loop3A_160 = arith.constant 0 : i32
      %parallel_loop3A_161 = vector.broadcast %parallel_loop3A_160 : i32 to vector<16xi32>
      %parallel_loop3A_162 = arith.cmpi ne, %parallel_loop3A_159, %parallel_loop3A_161 : vector<16xi32>
      %parallel_loop3A_163 = arith.andi %parallel_loop3A_157, %parallel_loop3A_162 : vector<16xi1>
      %parallel_loop3A_164 = arith.constant 1 : i32
      %parallel_loop3A_165 = vector.broadcast %parallel_loop3A_164 : i32 to vector<16xi32>
      %parallel_loop3A_166 = arith.subi %parallel_loop3A_139, %parallel_loop3A_165 : vector<16xi32>
      %parallel_loop3A_167 = arith.select %parallel_loop3A_163, %parallel_loop3A_166, %parallel_loop3A_139 : vector<16xi1>, vector<16xi32>
      %parallel_loop3A_168 = arith.constant 9 : i32
      %parallel_loop3A_169 = vector.broadcast %parallel_loop3A_168 : i32 to vector<16xi32>
      %parallel_loop3A_170 = arith.muli %parallel_loop3A_167, %parallel_loop3A_169 : vector<16xi32>
      %parallel_loop3A_171 = arith.subi %parallel_loop3A_136, %parallel_loop3A_170 : vector<16xi32>
      %parallel_loop3A_172 = arith.constant 8 : i32
      %parallel_loop3A_173 = vector.broadcast %parallel_loop3A_172 : i32 to vector<16xi32>
      %parallel_loop3A_174 = arith.muli %parallel_loop3A_171, %parallel_loop3A_173 : vector<16xi32>
      %parallel_loop3A_175 = arith.constant 2 : i32
      %parallel_loop3A_176 = arith.muli %parallel_loop3A_134, %parallel_loop3A_175 : i32
      %parallel_loop3A_177 = arith.constant 6 : i32
      %parallel_loop3A_178 = vector.broadcast %parallel_loop3A_177 : i32 to vector<16xi32>
      %parallel_loop3A_179 = arith.shrsi %parallel_loop3A_167, %parallel_loop3A_178 : vector<16xi32>
      %parallel_loop3A_180 = vector.broadcast %parallel_loop3A_176 : i32 to vector<16xi32>
      %parallel_loop3A_181 = arith.addi %parallel_loop3A_180, %parallel_loop3A_179 : vector<16xi32>
      %parallel_loop3A_182 = arith.addi %parallel_loop3A_174, %parallel_loop3A_181 : vector<16xi32>
      %parallel_loop3A_183 = arith.constant 63 : i32
      %parallel_loop3A_184 = vector.broadcast %parallel_loop3A_183 : i32 to vector<16xi32>
      %parallel_loop3A_185 = arith.andi %parallel_loop3A_167, %parallel_loop3A_184 : vector<16xi32>
      %parallel_loop3A_186 = tpu.memref_reshape %arg7 : memref<36x2x64xf32, #tpu.memory_space<vmem>> -> memref<72x64xf32, #tpu.memory_space<vmem>>
      %parallel_loop3A_187 = tpu.vector_load_idx %parallel_loop3A_186[%parallel_loop3A_182, %parallel_loop3A_185] : memref<72x64xf32, #tpu.memory_space<vmem>>[vector<16xi32>, vector<16xi32>], vector<16xf32>,
      %parallel_loop3A_188 = arith.constant 16 : i32
      %parallel_loop3A_189 = arith.muli %parallel_loop3A_48, %parallel_loop3A_188 : i32
      %parallel_loop3A_190 = arith.index_cast %parallel_loop3A_189 : i32 to index
      %parallel_loop3A_191 = tpu.vector_load %arg8[%parallel_loop3A_190] {strides = array<i32>} : memref<4608xf32, #tpu.memory_space<vmem>>, vector<16xf32>,
      %parallel_loop3A_192 = arith.subf %parallel_loop3A_191, %parallel_loop3A_187 : vector<16xf32>
      %parallel_loop3A_193 = math.absf %parallel_loop3A_192 : vector<16xf32>
      %parallel_loop3A_194 = arith.constant 1.000000e+00 : f32
      %parallel_loop3A_195 = vector.broadcast %parallel_loop3A_194 : f32 to vector<16xf32>
      %parallel_loop3A_196 = arith.cmpf olt, %parallel_loop3A_193, %parallel_loop3A_195 : vector<16xf32>
      %parallel_loop3A_197 = arith.constant 5.000000e-01 : f32
      %parallel_loop3A_198 = vector.broadcast %parallel_loop3A_197 : f32 to vector<16xf32>
      %parallel_loop3A_199 = arith.mulf %parallel_loop3A_198, %parallel_loop3A_193 : vector<16xf32>
      %parallel_loop3A_200 = arith.mulf %parallel_loop3A_199, %parallel_loop3A_193 : vector<16xf32>
      %parallel_loop3A_201 = arith.constant 5.000000e-01 : f32
      %parallel_loop3A_202 = vector.broadcast %parallel_loop3A_201 : f32 to vector<16xf32>
      %parallel_loop3A_203 = arith.subf %parallel_loop3A_193, %parallel_loop3A_202 : vector<16xf32>
      %parallel_loop3A_204 = arith.select %parallel_loop3A_196, %parallel_loop3A_200, %parallel_loop3A_203 : vector<16xi1>, vector<16xf32>
      %parallel_loop3A_205 = arith.index_cast %parallel_loop3A_94 : i32 to index
      %parallel_loop3A_206 = tpu.vector_load %arg9[%parallel_loop3A_205] {strides = array<i32>} : memref<1152xf32, #tpu.memory_space<vmem>>, vector<16xf32>,
      %parallel_loop3A_207 = arith.mulf %parallel_loop3A_206, %parallel_loop3A_204 : vector<16xf32>
      %parallel_loop3A_208 = arith.addf %parallel_loop3A_49, %parallel_loop3A_207 : vector<16xf32>
      scf.yield %parallel_loop3A_208 : vector<16xf32>
    } {sc.loop_unroll_factor = 8 : i64, sc.parallel_access}
    %swap3A = arith.constant 0 : index
    %swap3A_43 = tpu.vector_load %arg10[%swap3A] {strides = array<i32>} : memref<48xf32, #tpu.memory_space<vmem>>, vector<16xf32>,
    tpu.vector_store %arg10[%swap3A], %parallel_loop3A_42 {strides = array<i32>} : memref<48xf32, #tpu.memory_space<vmem>>, vector<16xf32>,
    %swap3A_44 = arith.constant 16 : index
    %swap3A_45 = tpu.vector_load %arg10[%swap3A_44] {strides = array<i32>} : memref<48xf32, #tpu.memory_space<vmem>>, vector<16xf32>,
    tpu.vector_store %arg10[%swap3A_44], %parallel_loop3A_26#0 {strides = array<i32>} : memref<48xf32, #tpu.memory_space<vmem>>, vector<16xf32>,
    %swap3A_46 = arith.constant 32 : index
    %swap3A_47 = tpu.vector_load %arg10[%swap3A_46] {strides = array<i32>} : memref<48xf32, #tpu.memory_space<vmem>>, vector<16xf32>,
    tpu.vector_store %arg10[%swap3A_46], %parallel_loop3A_26#1 {strides = array<i32>} : memref<48xf32, #tpu.memory_space<vmem>>, vector<16xf32>,
    "tpu.region"() ({
      %run_scoped3A = tpu.sem_alloc : memref<!tpu.dma_semaphore, #tpu.memory_space<semaphore_mem>>
      %dma_start3A_48 = arith.constant 0 : i32
      %dma_start3A_49 = tpu.memref_slice %arg5[%add3A, %dma_start3A_48] : memref<32x48xf32, #tpu.memory_space<hbm>> -> memref<1x48xf32, #tpu.memory_space<hbm>>
      %dma_start3A_50 = tpu.memref_squeeze %dma_start3A_49 : memref<1x48xf32, #tpu.memory_space<hbm>> -> memref<48xf32, #tpu.memory_space<hbm>>
      %dma_start3A_51 = arith.constant 0 : i32
      %dma_start3A_52 = tpu.memref_slice %arg5[%add3A, %dma_start3A_51] : memref<32x48xf32, #tpu.memory_space<hbm>> -> memref<1x48xf32, #tpu.memory_space<hbm>>
      %dma_start3A_53 = tpu.memref_squeeze %dma_start3A_52 : memref<1x48xf32, #tpu.memory_space<hbm>> -> memref<48xf32, #tpu.memory_space<hbm>>
      tpu.enqueue_dma source(%arg10 : memref<48xf32, #tpu.memory_space<vmem>>) target(%dma_start3A_53 : memref<48xf32, #tpu.memory_space<hbm>>) target_semaphore(%run_scoped3A : memref<!tpu.dma_semaphore, #tpu.memory_space<semaphore_mem>>)
      %dma_wait3A_54 = arith.constant 0 : i32
      %dma_wait3A_55 = tpu.memref_slice %arg5[%add3A, %dma_wait3A_54] : memref<32x48xf32, #tpu.memory_space<hbm>> -> memref<1x48xf32, #tpu.memory_space<hbm>>
      %dma_wait3A_56 = tpu.memref_squeeze %dma_wait3A_55 : memref<1x48xf32, #tpu.memory_space<hbm>> -> memref<48xf32, #tpu.memory_space<hbm>>
      %dma_wait3A_57 = arith.constant 0 : i32
      %dma_wait3A_58 = tpu.memref_slice %arg5[%add3A, %dma_wait3A_57] : memref<32x48xf32, #tpu.memory_space<hbm>> -> memref<1x48xf32, #tpu.memory_space<hbm>>
      %dma_wait3A_59 = tpu.memref_squeeze %dma_wait3A_58 : memref<1x48xf32, #tpu.memory_space<hbm>> -> memref<48xf32, #tpu.memory_space<hbm>>
      tpu.wait_dma2 semaphore(%run_scoped3A : memref<!tpu.dma_semaphore, #tpu.memory_space<semaphore_mem>>) src(%arg10 : memref<48xf32, #tpu.memory_space<vmem>>) dst(%dma_wait3A_59 : memref<48xf32, #tpu.memory_space<hbm>>)
      tpu.yield
    }) : () -> ()
    return
  }
}

module attributes {stable_mosaic.version = 14 : i64} {
  func.func @_tc_bce_body(%arg0: memref<288x128xf32, #tpu.memory_space<vmem>>, %arg1: memref<288x128xf32, #tpu.memory_space<vmem>>, %arg2: memref<32x48xf32, #tpu.memory_space<vmem>>, %arg3: memref<1x1xf32, #tpu.memory_space<smem>>) attributes {dimension_semantics = [], scalar_prefetch = 0 : i64, scratch_operands = 0 : i64, tpu.core_type = #tpu.core_type<tc>} {
    %get3A = arith.constant 0 : index
    %get3A_0 = arith.constant 0 : index
    %get3A_1 = vector.load %arg0[%get3A, %get3A_0] : memref<288x128xf32, #tpu.memory_space<vmem>>, vector<288x128xf32>
    %get3A_2 = arith.constant 0 : index
    %get3A_3 = arith.constant 0 : index
    %get3A_4 = vector.load %arg1[%get3A_2, %get3A_3] : memref<288x128xf32, #tpu.memory_space<vmem>>, vector<288x128xf32>
    %jit3A = arith.constant 1.000000e-07 : f32
    %jit3A_5 = arith.constant 0.99999988 : f32
    %max3A = vector.broadcast %jit3A : f32 to vector<288x128xf32>
    %max3A_6 = arith.maximumf %max3A, %get3A_4 : vector<288x128xf32>
    %min3A = vector.broadcast %jit3A_5 : f32 to vector<288x128xf32>
    %min3A_7 = arith.minimumf %min3A, %max3A_6 : vector<288x128xf32>
    %log3A = math.log %min3A_7 : vector<288x128xf32>
    %mul3A = arith.mulf %get3A_1, %log3A : vector<288x128xf32>
    %sub3A = arith.constant 1.000000e+00 : f32
    %sub3A_8 = vector.broadcast %sub3A : f32 to vector<288x128xf32>
    %sub3A_9 = arith.subf %sub3A_8, %get3A_1 : vector<288x128xf32>
    %sub3A_10 = arith.constant 1.000000e+00 : f32
    %sub3A_11 = vector.broadcast %sub3A_10 : f32 to vector<288x128xf32>
    %sub3A_12 = arith.subf %sub3A_11, %min3A_7 : vector<288x128xf32>
    %log3A_13 = math.log %sub3A_12 : vector<288x128xf32>
    %mul3A_14 = arith.mulf %sub3A_9, %log3A_13 : vector<288x128xf32>
    %add3A = arith.addf %mul3A, %mul3A_14 : vector<288x128xf32>
    %neg3A = arith.constant 0.000000e+00 : f32
    %neg3A_15 = vector.broadcast %neg3A : f32 to vector<288x128xf32>
    %neg3A_16 = arith.subf %neg3A_15, %add3A : vector<288x128xf32>
    %ne3A = arith.constant -1.000000e+00 : f32
    %ne3A_17 = vector.broadcast %ne3A : f32 to vector<288x128xf32>
    %ne3A_18 = arith.cmpf one, %get3A_1, %ne3A_17 : vector<288x128xf32>
    %convert_element_type3A = arith.extui %ne3A_18 : vector<288x128xi1> to vector<288x128xi32>
    %convert_element_type3A_19 = arith.sitofp %convert_element_type3A : vector<288x128xi32> to vector<288x128xf32>
    %mul3A_20 = arith.mulf %neg3A_16, %convert_element_type3A_19 : vector<288x128xf32>
    %reduce_sum3A = vector.shape_cast %mul3A_20 : vector<288x128xf32> to vector<1x288x128xf32>
    %reduce_sum3A_21 = arith.constant dense<0.000000e+00> : vector<1xf32>
    %reduce_sum3A_22 = vector.multi_reduction <add>, %reduce_sum3A, %reduce_sum3A_21 [1, 2] : vector<1x288x128xf32> to vector<1xf32>
    %reduce_sum3A_23 = vector.shape_cast %reduce_sum3A_22 : vector<1xf32> to vector<1x1x1xf32>
    %reduce_sum3A_24 = vector.extract %reduce_sum3A_23[0, 0, 0] : f32 from vector<1x1x1xf32>
    %reduce_sum3A_25 = vector.shape_cast %convert_element_type3A_19 : vector<288x128xf32> to vector<1x288x128xf32>
    %reduce_sum3A_26 = arith.constant dense<0.000000e+00> : vector<1xf32>
    %reduce_sum3A_27 = vector.multi_reduction <add>, %reduce_sum3A_25, %reduce_sum3A_26 [1, 2] : vector<1x288x128xf32> to vector<1xf32>
    %reduce_sum3A_28 = vector.shape_cast %reduce_sum3A_27 : vector<1xf32> to vector<1x1x1xf32>
    %reduce_sum3A_29 = vector.extract %reduce_sum3A_28[0, 0, 0] : f32 from vector<1x1x1xf32>
    %div3A = arith.divf %reduce_sum3A_24, %reduce_sum3A_29 : f32
    %get3A_30 = arith.constant 0 : index
    %get3A_31 = arith.constant 0 : index
    %get3A_32 = vector.load %arg2[%get3A_30, %get3A_31] : memref<32x48xf32, #tpu.memory_space<vmem>>, vector<32x48xf32>
    %reshape3A = vector.shape_cast %get3A_32 : vector<32x48xf32> to vector<32x3x16xf32>
    %slice3A = vector.extract_strided_slice %reshape3A {offsets = [0, 0, 0], sizes = [32, 1, 16], strides = [1, 1, 1]} : vector<32x3x16xf32> to vector<32x1x16xf32>
    %squeeze3A = vector.shape_cast %slice3A : vector<32x1x16xf32> to vector<32x16xf32>
    %reduce_sum3A_33 = vector.shape_cast %squeeze3A : vector<32x16xf32> to vector<1x32x16xf32>
    %reduce_sum3A_34 = arith.constant dense<0.000000e+00> : vector<1xf32>
    %reduce_sum3A_35 = vector.multi_reduction <add>, %reduce_sum3A_33, %reduce_sum3A_34 [1, 2] : vector<1x32x16xf32> to vector<1xf32>
    %reduce_sum3A_36 = vector.shape_cast %reduce_sum3A_35 : vector<1xf32> to vector<1x1x1xf32>
    %reduce_sum3A_37 = vector.extract %reduce_sum3A_36[0, 0, 0] : f32 from vector<1x1x1xf32>
    %slice3A_38 = vector.extract_strided_slice %reshape3A {offsets = [0, 1, 0], sizes = [32, 1, 16], strides = [1, 1, 1]} : vector<32x3x16xf32> to vector<32x1x16xf32>
    %squeeze3A_39 = vector.shape_cast %slice3A_38 : vector<32x1x16xf32> to vector<32x16xf32>
    %reduce_sum3A_40 = vector.shape_cast %squeeze3A_39 : vector<32x16xf32> to vector<1x32x16xf32>
    %reduce_sum3A_41 = arith.constant dense<0.000000e+00> : vector<1xf32>
    %reduce_sum3A_42 = vector.multi_reduction <add>, %reduce_sum3A_40, %reduce_sum3A_41 [1, 2] : vector<1x32x16xf32> to vector<1xf32>
    %reduce_sum3A_43 = vector.shape_cast %reduce_sum3A_42 : vector<1xf32> to vector<1x1x1xf32>
    %reduce_sum3A_44 = vector.extract %reduce_sum3A_43[0, 0, 0] : f32 from vector<1x1x1xf32>
    %slice3A_45 = vector.extract_strided_slice %reshape3A {offsets = [0, 2, 0], sizes = [32, 1, 16], strides = [1, 1, 1]} : vector<32x3x16xf32> to vector<32x1x16xf32>
    %squeeze3A_46 = vector.shape_cast %slice3A_45 : vector<32x1x16xf32> to vector<32x16xf32>
    %reduce_sum3A_47 = vector.shape_cast %squeeze3A_46 : vector<32x16xf32> to vector<1x32x16xf32>
    %reduce_sum3A_48 = arith.constant dense<0.000000e+00> : vector<1xf32>
    %reduce_sum3A_49 = vector.multi_reduction <add>, %reduce_sum3A_47, %reduce_sum3A_48 [1, 2] : vector<1x32x16xf32> to vector<1xf32>
    %reduce_sum3A_50 = vector.shape_cast %reduce_sum3A_49 : vector<1xf32> to vector<1x1x1xf32>
    %reduce_sum3A_51 = vector.extract %reduce_sum3A_50[0, 0, 0] : f32 from vector<1x1x1xf32>
    %mul3A_52 = arith.constant 1.000000e-07 : f32
    %mul3A_53 = arith.mulf %reduce_sum3A_51, %mul3A_52 : f32
    %add3A_54 = arith.addf %reduce_sum3A_44, %mul3A_53 : f32
    %div3A_55 = arith.divf %reduce_sum3A_37, %add3A_54 : f32
    %mul3A_56 = arith.constant 1.000000e+01 : f32
    %mul3A_57 = arith.mulf %mul3A_56, %div3A_55 : f32
    %add3A_58 = arith.addf %div3A, %mul3A_57 : f32
    %swap3A = arith.constant 0 : index
    %swap3A_59 = arith.constant 0 : index
    %swap3A_60 = memref.load %arg3[%swap3A, %swap3A_59] : memref<1x1xf32, #tpu.memory_space<smem>>
    memref.store %add3A_58, %arg3[%swap3A, %swap3A_59] : memref<1x1xf32, #tpu.memory_space<smem>>
    return
  }
}

</mosaic_0001>

<sc_bundles>
// kernel: kernel.4.cloned.1.call-start
scs
__scs_entry_jumppad:
0x0: {  	(pc) =	sbr.rel $0x88, $3  }
0x1: {  	(tag) =	ssettag $0x0;
	lr =	simm.s32 $0x1  }
0x2: {  	[smem:$0x3F9D] =	sst lr;
	_ =	strace $0xD0000000  }
0x3: {  	_ = 	snop  }
0x4: {  	_ = 	snop  }
0x5: {  	_ = 	snop  }
0x6: {  	_ = 	snop  }
0x7: {  	_ = 	snop  }
__scs_overlays_trampoline_lowered:
0x8: {  	[smem:$0x3FAC] =	sst s0  }
0x9: {  	[smem:$0x3FAD] =	sst s1  }
0xa: {  	[smem:$0x3FAE] =	sst s2  }
0xb: {  	[smem:$0x3FAF] =	sst s3  }
0xc: {  	[smem:$0x3FB0] =	sst s4  }
0xd: {  	[smem:$0x3FB1] =	sst s5  }
0xe: {  	[smem:$0x3FB2] =	sst s6  }
0xf: {  	[smem:$0x3FB3] =	sst s7  }
0x10: {  	[smem:$0x3FB4] =	sst s8  }
0x11: {  	[smem:$0x3FB5] =	sst s9;
	s0 =	simm.s32 @!p0 $0x0  }
0x12: {  	s1 =	sld [smem:$0x3F9B];
	s0 =	simm.s32 @p0 $0x1  }
0x13: {  	[smem:$0x3FB6] =	sst s0;
	s0 =	simm.s32 @!p1 $0x0  }
0x14: {  	s2 =	sld [smem:$0x3F9A];
	s0 =	simm.s32 @p1 $0x1  }
0x15: {  	[smem:$0x3FB7] =	sst s0;
	s0 =	simm.s32 @!p2 $0x0  }
0x16: {  	s3 =	sld [smem:$0x3FDB];
	s0 =	simm.s32 @p2 $0x1  }
0x17: {  	s4 =	simm.s32 $0x1BF5;
	[smem:$0x3FB9] =	sst s0  }
0x18: {  	s0 =	sld [smem:$0x3F9C];
	_ =	swait.ge [sflag:s4], $0x0  }
0x19: {  	s7 =	sld [smem:$0x3F9D]  }
0x1a: {  	s8 =	sadd.s32 $0xFFFFE003, lr  }
0x1b: {  	s9 =	sadd.s32 $0xFFFFFEF7, lr;
	s5 =	simm.s32 $0xFFFFFFFF;
	p2 =	slt.u32 s8, $0xFFFFF086  }
0x1c: {  	p1 =	slt.u32 s9, $0xF7A;
	s5 =	simm.s32 @!p2 $0x0  }
0x1d: {  	s5 =	simm.s32 @p1 $0x1;
	p0 =	seq.s32 s7, s2  }
0x1e: {  	s7 =	smul.u32 @!p0 $0xF7A, s2;
	p2 =	seq.s32 @!p0 s5, $0x0  }
0x1f: {  	s9 =	smul.u32 $0xF7A, s1;
	s8 =	simm.s32 @!p0 $0x1BF5;
	p2 =	por !p2, p0  }
0x20: {  	[sflag:s8] =	ssyncset.s32 @!p0 $0xFFFFF086;
	s6 =	sadd.s32 @!p0 s3, s7;
	s7 =	simm.s32 @!p0 $0x108  }
0x21: {  	s3 =	sadd.s32 s3, s9;
	s6 =	sadd.s32 @!p0 $0x88, s6;
	s7 =	simm.s32 @p2 $0x1082  }
0x22: {  	[simem:s7], [sflag:s8] =	dma.local @!p0 [hbm:s6], $0xF7A  }
0x23: {  	s9 =	sor.u32 $0xD0000000, s2;
	s6 =	simm.s32 $0x108;
	_ =	swait.ge @!p0 [sflag:s8], $0x0  }
0x24: {  	s3 =	sadd.s32 $0x88, s3;
	s6 =	simm.s32 @!p1 $0x1082;
	[sflag:s4] =	ssyncset.s32 $0xFFFFF086  }
0x25: {  	[simem:s6], [sflag:s4] =	dma.local [hbm:s3], $0xF7A  }
0x26: {  	[smem:$0x3F9D] =	sst s1;
	(tag) =	ssettag s2;
	_ =	strace s9  }
0x27: {  	s1 =	sld [smem:$0x3FAD]  }
0x28: {  	s2 =	sld [smem:$0x3FAE]  }
0x29: {  	s4 =	sld [smem:$0x3FB0]  }
0x2a: {  	p0 =	seq.s32 s5, $0x0;
	s5 =	sld [smem:$0x3FB1]  }
0x2b: {  	s6 =	sld [smem:$0x3FB2]  }
0x2c: {  	s7 =	sld [smem:$0x3FB3]  }
0x2d: {  	s3 =	simm.s32 $0x108;
	s8 =	sld [smem:$0x3FB4]  }
0x2e: {  	s3 =	simm.s32 @!p0 $0x1082;
	s9 =	sld [smem:$0x3FB5]  }
0x2f: {  	lr =	sadd.s32 s0, s3;
	s0 =	sld [smem:$0x3FAC]  }
0x30: {  	s3 =	sld [smem:$0x3FAF]  }
0x31: {  	[smem:$0x3FB8] =	sst s10  }
0x32: {  	s10 =	sld [smem:$0x3FB6];
	_ =	sdelay $0x3  }
0x33: {  	p0 =	seq.s32 s10, $0x1;
	s10 =	sld [smem:$0x3FB8];
	_ =	sdelay $0x3  }
0x34: {  	[smem:$0x3FB8] =	sst s10  }
0x35: {  	s10 =	sld [smem:$0x3FB7];
	_ =	sdelay $0x3  }
0x36: {  	p1 =	seq.s32 s10, $0x1;
	s10 =	sld [smem:$0x3FB8];
	_ =	sdelay $0x3  }
0x37: {  	[smem:$0x3FB8] =	sst s10  }
0x38: {  	s10 =	sld [smem:$0x3FB9]  }
0x39: {  	_ = 	snop;
	(pc) =	sbr.ind lr, $3  }
0x3a: {  	_ = 	snop  }
0x3b: {  	_ = 	snop  }
0x3c: {  	p2 =	seq.s32 s10, $0x1;
	s10 =	sld [smem:$0x3FB8]  }
0x3d: {  	_ =	shalt  }
0x3e: {  	_ =	shalt  }
0x3f: {  	_ =	shalt  }
0x40: {  	_ =	shalt  }
0x41: {  	_ =	shalt  }
0x42: {  	_ =	shalt  }
0x43: {  	_ =	shalt  }
0x44: {  	_ =	shalt  }
0x45: {  	_ =	shalt  }
0x46: {  	_ =	shalt  }
0x47: {  	_ =	shalt  }
0x48: {  	_ =	shalt  }
0x49: {  	_ =	shalt  }
0x4a: {  	_ =	shalt  }
0x4b: {  	_ =	shalt  }
0x4c: {  	_ =	shalt  }
0x4d: {  	_ =	shalt  }
0x4e: {  	_ =	shalt  }
0x4f: {  	_ =	shalt  }
0x50: {  	_ =	shalt  }
0x51: {  	_ =	shalt  }
0x52: {  	_ =	shalt  }
0x53: {  	_ =	shalt  }
0x54: {  	_ =	shalt  }
0x55: {  	_ =	shalt  }
0x56: {  	_ =	shalt  }
0x57: {  	_ =	shalt  }
0x58: {  	_ =	shalt  }
0x59: {  	_ =	shalt  }
0x5a: {  	_ =	shalt  }
0x5b: {  	_ =	shalt  }
0x5c: {  	_ =	shalt  }
0x5d: {  	_ =	shalt  }
0x5e: {  	_ =	shalt  }
0x5f: {  	_ =	shalt  }
0x60: {  	_ =	shalt  }
0x61: {  	_ =	shalt  }
0x62: {  	_ =	shalt  }
0x63: {  	_ =	shalt  }
0x64: {  	_ =	shalt  }
0x65: {  	_ =	shalt  }
0x66: {  	_ =	shalt  }
0x67: {  	_ =	shalt  }
0x68: {  	_ =	shalt  }
0x69: {  	_ =	shalt  }
0x6a: {  	_ =	shalt  }
0x6b: {  	_ =	shalt  }
0x6c: {  	_ =	shalt  }
0x6d: {  	_ =	shalt  }
0x6e: {  	_ =	shalt  }
0x6f: {  	_ =	shalt  }
0x70: {  	_ =	shalt  }
0x71: {  	_ =	shalt  }
0x72: {  	_ =	shalt  }
0x73: {  	_ =	shalt  }
0x74: {  	_ =	shalt  }
0x75: {  	_ =	shalt  }
0x76: {  	_ =	shalt  }
0x77: {  	_ =	shalt  }
0x78: {  	_ =	shalt  }
0x79: {  	_ =	shalt  }
0x7a: {  	_ =	shalt  }
0x7b: {  	_ =	shalt  }
0x7c: {  	_ =	shalt  }
0x7d: {  	_ =	shalt  }
0x7e: {  	_ =	shalt  }
0x7f: {  	_ =	shalt  }
0x80: {  	_ =	shalt  }
0x81: {  	_ =	shalt  }
0x82: {  	_ =	shalt  }
0x83: {  	_ =	shalt  }
0x84: {  	_ =	shalt  }
0x85: {  	_ =	shalt  }
0x86: {  	_ =	shalt  }
0x87: {  	_ =	shalt  }
.Lfunc_end0:
.L_simem_size_0:
called_computation_lowered:
.L_overlay_start_0:
0x88: {  	s2 =	sld [smem:$0x3FD9]  }
0x89: {  	s3 =	sld [smem:$0x3FFE];
	_ =	sdelay $0x1  }
0x8a: {  	s1 =	srdreg.scid  }
0x8b: {  	s0 =	sand.u32 $0x1, s1  }
0x8c: {  	s17 =	sshll.u32 s0, $0xA;
	s2 =	sadd.s32 s3, s2  }
0x8d: {  	s2 =	sadd.s32 s2, s17  }
0x8e: {  	[smem:$0x3FC4] =	sst s2  }
0x8f: {  	_ = 	snop  }
0x90: {  	s2 =	sld [smem:$0x3FC9]  }
0x91: {  	s18 =	sld [smem:$0x3FC8];
	(tm) =	ssettm $0x1  }
0x92: {  	s4 =	sld [smem:$0x3FFB];
	_ =	sdelay $0x3  }
0x93: {  	_ =	strace s4  }
0x94: {  	s4 =	sld [smem:$0x3FFC];
	_ =	sdelay $0x3  }
0x95: {  	_ =	strace s4  }
0x96: {  	s4 =	sld [smem:$0x3FFD];
	_ =	sdelay $0x3  }
0x97: {  	_ =	strace s4  }
0x98: {  	_ =	strace $0x8FFFFFFF  }
0x99: {  	s19 =	sld [smem:$0x3FDB];
	_ =	sdelay $0x1  }
0x9a: {  	s5 =	simm.s32 $_scs_section_size  }
0x9b: {  	s6 =	simm.s32 $_size__tile_overlayer_lowered;
	s7 =	simm.s32 $_tile_overlayer_lowered  }
0x9c: {  	s22 =	simm.s32 $0x1BFF;
	s21 =	sshll.u32 s7, $0x1;
	s4 =	sadd.s32 s5, s19  }
0x9d: {  	s8 =	simm.s32 $0x0;
	s20 =	sshll.u32 s6, $0x1;
	s6 =	sadd.s32 s21, s4  }
0x9e: {  	[timem:s8], [sflag:s22] =	dma.local [hbm:s6], s20  }
0x9f: {  	_ =	swait.ge [sflag:s22], s20  }
0xa0: {  	s5 =	ssub.s32 $0x0, s20;
	[sflag:s22] =	ssyncset.done $0x0  }
0xa1: {  	[sflag:s22] =	ssyncadd.s32 s5;
	_ =	sdelay $0x1  }
0xa2: {  	s23 =	simm.s32 $0x1B8B  }
0xa3: {  	_ =	swait.ge [sflag:s23], $0x1  }
0xa4: {  	[sflag:s23] =	ssyncset.done $0x0  }
0xa5: {  	s25 =	simm.s32 $0x1B8E;
	s24 =	sld [smem:$0x3FFE];
	[sflag:s23] =	ssyncadd.s32 $0xFFFFFFFF  }
0xa6: {  	s26 =	simm.s32 $execute0_lowered;
	[smem:$0x3FD2] =	sst s25  }
0xa7: {  	s6 =	sshll.u32 s26, $0x1;
	_ =	strace $0x80000046;
	[dreg:$0x1] =	wrdreg $0xFFFFFFFF  }
0xa8: {  	s28 =	simm.s32 $_size_execute0_lowered;
	s4 =	sadd.s32 s4, s6;
	[dreg:$0x0] =	wrdreg $0x0  }
0xa9: {  	s6 =	sshll.u32 s28, $0x1;
	[dreg:$0x2] =	wrdreg s4  }
0xaa: {  	[dreg:$0x3] =	wrdreg s6  }
0xab: {  	[dreg:$0x4] =	wrdreg $0xC0  }
0xac: {  	_ =	task [dreg:s8], $0x5FFFF  }
0xad: {  	[dreg:$0x1] =	wrdreg $0xFFFFFFFF  }
0xae: {  	[dreg:$0x0] =	wrdreg $0x60  }
0xaf: {  	[dreg:$0x2] =	wrdreg s24  }
0xb0: {  	[dreg:$0x3] =	wrdreg s2  }
0xb1: {  	[dreg:$0x4] =	wrdreg s18  }
0xb2: {  	[dreg:$0x5] =	wrdreg $0x9  }
0xb3: {  	_ =	task.clear_ibuf [dreg:s8], $0x6FFFF;
	_ =	strace $0x90000046  }
0xb4: {  	s29 =	simm.s32 $0x9;
	_ =	strace $0x80000048  }
0xb5: {  	_ =	swait.ge [sflag:s29], $0x1  }
0xb6: {  	[sflag:s29] =	ssyncadd.s32 $0xFFFFFFFF  }
0xb7: {  	_ =	strace $0x90000048  }
0xb8: {  	_ =	sfence  }
0xb9: {  	s30 =	sld [smem:$0x0];
	_ =	sdelay $0x2  }
0xba: {  	s31 =	sshll.u32 s1, $0xD;
	s1 =	sshrl.u32 s1, $0x2  }
0xbb: {  	s3 =	sand.u32 $0x4000, s31;
	s1 =	sadd.s32 s1, s30  }
0xbc: {  	s0 =	sor.u32 s3, s0;
	s1 =	sshll.u32 s1, $0x11  }
0xbd: {  	s0 =	sor.u32 s1, s0  }
0xbe: {  	s0 =	sadd.s32 $0x8F2B, s0  }
0xbf: {  	[sflag:s0] =	ssyncadd.remote.s32 $0x1  }
0xc0: {  	_ =	sfence.sel $0xFFFF  }
0xc1: {  	[dreg:$0x0] =	wrdreg $0xFFFFFFFF;
	(pc) =	sbr.abs _section_cstart, $3  }
0xc2: {  	[dreg:$0x1] =	wrdreg $0xFFFFFFFF  }
0xc3: {  	_ =	task.clear_ibuf [dreg:s8], $0x2FFFF;
	_ =	strace $0x9FFFFFFF  }
0xc4: {  	(tm) =	ssettm $0x7FFFFFFF  }
0xc5: {  	_ =	shalt  }
tec
execute0_lowered:
.L_overlay_start_1:
0x0: {  	(tag) =	ssettag $0x1  }
0x1: {  	s3 =	rddreg [dreg:$0x0]  }
0x2: {  	s1 =	srdreg.scid;
	s4 =	rddreg [dreg:$0x1]  }
0x3: {  	s0 =	stileid.u32;
	s6 =	rddreg [dreg:$0x2];
	s2 =	simm.s32 $0x0  }
0x4: {  	s12 =	simm.s32 $0x1;
	s13 =	simm.s32 $0x2;
	s14 =	simm.s32 $0x3  }
0x5: {  	s15 =	simm.s32 $0x3F00;
	s16 =	simm.s32 $0x4;
	s17 =	simm.s32 $0x0  }
0x6: {  	s5 =	sand.u32 $0x1, s1;
	s30 =	sshll.u32 s0, $0x1;
	[smem:$0x7FF] =	sst s2  }
0x7: {  	s1 =	rddreg [dreg:$0x3];
	s7 =	sor.u32 s5, s30;
	_ =	strace $0x80000047  }
0x8: {  	s5 =	ssub.s32 $0x2, s5;
	s8 =	smul.u32 $0x90, s7;
	s9 =	sshll.u32 s7, $0x4  }
0x9: {  	s10 =	sshrl.u32 s5, $0x1;
	s11 =	smul.u32 $0x240, s7;
	s31 =	sshll.u32 s7, $0x5  }
0xa: {  	s9 =	sadd.s32 s9, s3;
	s10 =	ssub.s32 s5, s10;
	s4 =	sadd.s32 s4, s31  }
0xb: {  	s8 =	sadd.s32 s8, s3;
	s5 =	sadd.s32 s6, s11;
	s6 =	sadd.s32 $0x1C00, s9  }
0xc: {  	s7 =	smax.u32 s10, $0x1;
	s9 =	simm.s32 $0x2000;
	s10 =	simm.s32 $0x480  }
0xd: {  	v0 =	vimm.f32 $0.0e+00;
	v1 =	vlaneseq.u32;
	v2 =	vimm.s32 $0x0;
	s11 =	simm.s32 $0x2880;
	s3 =	sadd.s32 $0xA00, s8;
	s8 =	simm.s32 $0x100  }
.LBB2_1:
0xe: {  	[tilespmem:s2], [sflag:$0x1] =	stream.linear.gather [hbm4b:s3+s2], $0x480, $0x38;
	[tilespmem:$0x3F80] =	vst v63  }
0xf: {  	_ = 	snop  }
0x10: {  	[tilespmem:s10], [sflag:$0x2] =	stream.strided.gather [hbm4b:s4+s8], $0x2400, s9, s8, $0x38;
	[tilespmem:$0x3F80] =	vst v63  }
0x11: {  	_ = 	snop  }
0x12: {  	[tilespmem:s11], [sflag:$0x3] =	stream.linear.gather [hbm4b:s5+s2], $0x1200, $0x38;
	[tilespmem:$0x3F80] =	vst v63  }
0x13: {  	_ =	swait.ge [sflag:s12], $0x480  }
0x14: {  	[sflag:s12] =	ssyncset.done $0x0  }
0x15: {  	s18 =	simm.s32 $0x20;
	[sflag:s12] =	ssyncadd.s32 $0xFFFFFB80  }
0x16: {  	v5 =	vld [tilespmem:s18+$0x10]  }
0x17: {  	v4 =	vld [tilespmem:s18+$0x0]  }
0x18: {  	v6 =	vld [tilespmem:s18+$0xFFFFFFE0]  }
0x19: {  	v3 =	vld [tilespmem:s18+$0xFFFFFFF0];
	_ =	sdelay $0x1  }
0x1a: {  	s31 =	simm.s32 $0x60  }
0x1b: {  	v10 =	vld [tilespmem:s31+$0xFFFFFFF0];
	vm0 =	vgt.f32 v4, $0.0e+00  }
0x1c: {  	vm1 =	vlt.f32 v5, $-1.000000000e+00;
	vm2 =	vlt.f32 v6, $-1.000000000e+00;
	vm3 =	vgt.f32 v6, $-1.000000000e+00  }
0x1d: {  	vm4 =	vgt.f32 v3, $0.0e+00;
	vm6 =	vgt.f32 v3, $-1.000000000e+00;
	vm2 =	vmor vm3, vm2  }
0x1e: {  	v63 =	vld [tilespmem:s31+$0xFFFFFFE0];
	vm3 =	vgt.f32 v6, $0.0e+00;
	v6 =	vsel vm2, $0x3F800000, v0;
	vm2 =	vlt.f32 v3, $-1.000000000e+00  }
0x1f: {  	vm5 =	vlt.f32 v4, $-1.000000000e+00;
	v7 =	vnsel vm3, $0x0, v6;
	vm2 =	vmor vm6, vm2  }
0x20: {  	v6 =	vadd.f32 v6, v0;
	vm3 =	vgt.f32 v4, $-1.000000000e+00;
	vm6 =	vgt.f32 v10, $-1.000000000e+00  }
0x21: {  	v4 =	vld [tilespmem:s31+$0x0];
	v8 =	vadd.f32 v7, v0;
	v9 =	vsel vm2, $0x3F800000, v0;
	vm2 =	vmor vm3, vm5  }
0x22: {  	vm3 =	vgt.f32 v5, $-1.000000000e+00;
	v11 =	vnsel vm4, $0x0, v9;
	v6 =	vadd.f32 v9, v6  }
0x23: {  	v3 =	vld [tilespmem:s31+$0x10];
	v12 =	vsel vm2, $0x3F800000, v0;
	vm4 =	vgt.f32 v63, $-1.000000000e+00;
	vm2 =	vgt.f32 v10, $0.0e+00  }
0x24: {  	v8 =	vadd.f32 v11, v8;
	v6 =	vadd.f32 v12, v6;
	v12 =	vnsel vm0, $0x0, v12  }
0x25: {  	s20 =	simm.s32 $0x3AA0;
	vm0 =	vmor vm3, vm1;
	vm1 =	vgt.f32 v5, $0.0e+00;
	vm3 =	vlt.f32 v63, $-1.000000000e+00  }
0x26: {  	[tilespmem:s20+$0xFFFFFFE0] =	vst v7;
	v8 =	vadd.f32 v12, v8;
	v13 =	vsel vm0, $0x3F800000, v0;
	vm0 =	vgt.f32 v4, $0.0e+00  }
0x27: {  	[tilespmem:s20+$0xFFFFFFF0] =	vst v11;
	vm5 =	vmor vm4, vm3;
	vm4 =	vgt.f32 v63, $0.0e+00;
	vm3 =	vlt.f32 v4, $-1.000000000e+00  }
0x28: {  	[tilespmem:s20+$0x0] =	vst v12;
	v5 =	vadd.f32 v13, v6;
	v13 =	vnsel vm1, $0x0, v13;
	vm1 =	vlt.f32 v3, $-1.000000000e+00  }
0x29: {  	s19 =	simm.s32 $0xA0;
	s18 =	simm.s32 $0x4;
	v7 =	vsel vm5, $0x3F800000, v0;
	vm5 =	vlt.f32 v10, $-1.000000000e+00;
	v6 =	vadd.f32 v13, v8;
	[tilespmem:s20+$0x10] =	vst v13  }
.LBB2_2:
0x2a: {  	v8 =	vld [tilespmem:s19+$0x10];
	v9 =	vnsel vm4, $0x0, v7;
	vm4 =	vmor vm6, vm5;
	vm5 =	vgt.f32 v4, $-1.000000000e+00;
	s20 =	sadd.s32 $0x40, s20  }
0x2b: {  	v5 =	vadd.f32 v7, v5;
	v4 =	vld [tilespmem:s19+$0x0];
	[tilespmem:s20+$0xFFFFFFE0] =	vst v9;
	v6 =	vadd.f32 v9, v6;
	v7 =	vsel vm4, $0x3F800000, v0  }
0x2c: {  	v9 =	vld [tilespmem:s19+$0xFFFFFFF0];
	v10 =	vnsel vm2, $0x0, v7;
	vm2 =	vmor vm5, vm3;
	vm3 =	vgt.f32 v3, $-1.000000000e+00  }
0x2d: {  	s18 =	sadd.s32 $0x4, s18;
	v5 =	vadd.f32 v7, v5;
	v11 =	vld [tilespmem:s19+$0xFFFFFFE0];
	[tilespmem:s20+$0xFFFFFFF0] =	vst v10;
	v6 =	vadd.f32 v10, v6;
	v7 =	vsel vm2, $0x3F800000, v0  }
0x2e: {  	p0 =	slt.u32 s18, $0x44;
	v10 =	vnsel vm0, $0x0, v7;
	vm0 =	vmor vm3, vm1;
	vm1 =	vgt.f32 v3, $0.0e+00  }
0x2f: {  	v5 =	vadd.f32 v7, v5;
	[tilespmem:s20+$0x0] =	vst v10;
	v6 =	vadd.f32 v10, v6;
	v7 =	vsel vm0, $0x3F800000, v0;
	v3 =	vmovc v8  }
.Ltmp0:
0x30: {  	vm0 =	vgt.f32 v4, $0.0e+00;
	v8 =	vnsel vm1, $0x0, v7;
	(pc) =	sbr.rel @p0 .LBB2_2-.Ltmp0, $4  }
0x31: {  	vm1 =	vlt.f32 v3, $-1.000000000e+00;
	v5 =	vadd.f32 v7, v5;
	[tilespmem:s20+$0x10] =	vst v8;
	v6 =	vadd.f32 v8, v6  }
0x32: {  	vm2 =	vgt.f32 v9, $0.0e+00;
	vm3 =	vlt.f32 v11, $-1.000000000e+00;
	vm4 =	vgt.f32 v11, $-1.000000000e+00  }
0x33: {  	vm5 =	vmor vm4, vm3;
	vm4 =	vgt.f32 v11, $0.0e+00;
	vm3 =	vlt.f32 v4, $-1.000000000e+00  }
0x34: {  	s19 =	sadd.s32 $0x40, s19;
	vm6 =	vgt.f32 v9, $-1.000000000e+00;
	v7 =	vsel vm5, $0x3F800000, v0;
	vm5 =	vlt.f32 v9, $-1.000000000e+00  }
0x35: {  	v8 =	vnsel vm4, $0x0, v7;
	vm8 =	vmor vm6, vm5;
	s21 =	simm.s32 $0x0  }
0x36: {  	vm9 =	vgt.f32 v4, $-1.000000000e+00;
	v5 =	vadd.f32 v7, v5;
	vm11 =	vgt.f32 v3, $-1.000000000e+00;
	s19 =	sand.u32 $0xFFFFFF80, s21  }
0x37: {  	vm13 =	vgt.f32 v3, $0.0e+00;
	v4 =	vadd.f32 v8, v6;
	v6 =	vsel vm8, $0x3F800000, v0;
	s18 =	sor.u32 $0x70, s19  }
0x38: {  	vm10 =	vmor vm9, vm3;
	vm12 =	vmor vm11, vm1;
	s22 =	sor.u32 $0x60, s19;
	v13 =	vor.u32 s18, v1  }
0x39: {  	v7 =	vnsel vm2, $0x0, v6;
	s26 =	sor.u32 $0x50, s19;
	v14 =	vor.u32 s22, v1;
	v15 =	vmulhi.u32 $0x38E38E39, v13  }
0x3a: {  	v9 =	vsel vm10, $0x3F800000, v0;
	s28 =	sor.u32 $0x40, s19;
	v16 =	vor.u32 s26, v1;
	v17 =	vmulhi.u32 $0x38E38E39, v14  }
0x3b: {  	v5 =	vadd.f32 v6, v5;
	s23 =	sor.u32 $0x30, s19;
	v18 =	vor.u32 s28, v1;
	v19 =	vmulhi.u32 $0x38E38E39, v16  }
0x3c: {  	s24 =	sor.u32 $0x20, s19;
	v4 =	vadd.f32 v7, v4;
	v20 =	vor.u32 s23, v1;
	v21 =	vmulhi.u32 $0x38E38E39, v18  }
0x3d: {  	v10 =	vnsel vm0, $0x0, v9;
	v23 =	vor.u32 s24, v1;
	v24 =	vmulhi.u32 $0x38E38E39, v20  }
0x3e: {  	v22 =	vmov s19;
	v26 =	vmulhi.u32 $0x38E38E39, v23;
	v3 =	vadd.f32 v10, v4  }
0x3f: {  	v4 =	vadd.f32 v9, v5;
	v5 =	vsel vm12, $0x3F800000, v0;
	v9 =	vor.u32 s19, v1  }
0x40: {  	vm14 =	veq.s32 v22, v1;
	s19 =	sor.u32 $0x10, s19;
	v11 =	vnsel vm13, $0x0, v5;
	v12 =	vmulhi.u32 $0x38E38E39, v9  }
0x41: {  	v25 =	vor.u32 s19, v1;
	v22 =	vsub.s32 $0x0, v9;
	v28 =	vshrl.u32 v15, $0x7  }
0x42: {  	v29 =	vshrl.u32 v17, $0x7;
	v15 =	vshrl.u32 v15, $0x1;
	v30 =	vshrl.u32 v19, $0x7  }
0x43: {  	v17 =	vshrl.u32 v17, $0x1;
	v31 =	vshrl.u32 v21, $0x7;
	v32 =	vshrl.u32 v24, $0x7  }
0x44: {  	s18 =	simm.s32 $0x20;
	v21 =	vshrl.u32 v21, $0x1;
	v19 =	vshrl.u32 v19, $0x1;
	v33 =	vshrl.u32 v26, $0x7  }
0x45: {  	s22 =	sand.u32 $0xFFFFFF80, s18;
	v24 =	vshrl.u32 v24, $0x1;
	v26 =	vshrl.u32 v26, $0x1;
	v3 =	vadd.f32 v11, v3  }
0x46: {  	v4 =	vadd.f32 v5, v4;
	v5 =	vor.u32 s22, v1;
	v27 =	vmulhi.u32 $0x38E38E39, v25  }
0x47: {  	v36 =	vand.u32 $0x3F, v17;
	v37 =	vand.u32 $0x3F, v15;
	v38 =	vand.u32 $0x3F, v19  }
0x48: {  	v39 =	vand.u32 $0x3F, v21;
	v15 =	vmul.u32 $0x3FFFF7, v15;
	v40 =	vand.u32 $0x3F, v24  }
0x49: {  	s20 =	sadd.s32 $0x40, s20;
	s19 =	simm.s32 $0x0;
	v17 =	vmul.u32 $0x3FFFF7, v17;
	v19 =	vmul.u32 $0x3FFFF7, v19;
	v21 =	vmul.u32 $0x3FFFF7, v21  }
0x4a: {  	s29 =	sand.u32 $0x6, s19;
	[tilespmem:s20+$0x10] =	vst v11;
	v11 =	vmul.u32 $0x3FFFF7, v26;
	v24 =	vmul.u32 $0x3FFFF7, v24;
	v12 =	vshrl.u32 v12, $0x1  }
0x4b: {  	[tilespmem:s20+$0xFFFFFFE0] =	vst v8;
	v29 =	vadd.s32 s29, v29;
	v28 =	vadd.s32 s29, v28;
	v30 =	vadd.s32 s29, v30  }
0x4c: {  	[tilespmem:s20+$0xFFFFFFF0] =	vst v7;
	v8 =	vadd.s32 s29, v31;
	v31 =	vand.u32 $0x3F, v26;
	v7 =	vadd.s32 s29, v32  }
0x4d: {  	[tilespmem:s20+$0x0] =	vst v10;
	v10 =	vadd.s32 s29, v33;
	v34 =	vshrl.u32 v27, $0x1;
	v27 =	vshrl.u32 v27, $0x7  }
0x4e: {  	v35 =	vmul.u32 $0xFFFFFFF7, v12;
	v29 =	vshll.u32 v29, $0x7;
	v28 =	vshll.u32 v28, $0x7  }
0x4f: {  	v7 =	vshll.u32 v7, $0x7;
	v8 =	vshll.u32 v8, $0x7;
	v30 =	vshll.u32 v30, $0x7  }
0x50: {  	_ =	swait.ge [sflag:s13], $0x2400;
	v10 =	vshll.u32 v10, $0x7;
	v16 =	vadd.s32 v16, v19;
	v14 =	vadd.s32 v14, v17  }
0x51: {  	[sflag:s13] =	ssyncset.done $0x0;
	v13 =	vadd.s32 v13, v15;
	v11 =	vadd.s32 v23, v11;
	v15 =	vadd.s32 v20, v24  }
0x52: {  	v17 =	vadd.s32 v18, v21;
	v41 =	vand.u32 $0x3F, v34;
	v27 =	vadd.s32 s29, v27;
	[sflag:s13] =	ssyncadd.s32 $0xFFFFDC00  }
0x53: {  	v26 =	vmul.u32 $0x3FFFF7, v34;
	v13 =	vshll.u32 v13, $0xA;
	v17 =	vshll.u32 v17, $0xA;
	_ =	swait.ge [sflag:s14], $0x1200  }
0x54: {  	v16 =	vshll.u32 v16, $0xA;
	v14 =	vshll.u32 v14, $0xA;
	v11 =	vshll.u32 v11, $0xA;
	[sflag:s14] =	ssyncset.done $0x0  }
0x55: {  	s20 =	simm.s32 $0x28C0;
	v15 =	vshll.u32 v15, $0xA;
	vm15 =	vne.s32 v35, v22;
	v18 =	vadd.s32 v25, v26;
	[sflag:s14] =	ssyncadd.s32 $0xFFFFEE00  }
0x56: {  	v27 =	vshll.u32 v27, $0x7;
	v13 =	vadd.s32 v28, v13;
	v23 =	vshll.u32 v18, $0xA;
	v18 =	vld [tilespmem:s20+$0x30]  }
0x57: {  	v14 =	vadd.s32 v29, v14;
	v16 =	vadd.s32 v30, v16;
	vm0 =	vmand vm14, vm15;
	v19 =	vld [tilespmem:s20+$0x20]  }
0x58: {  	v8 =	vadd.s32 v8, v17;
	v13 =	vor.u32 v37, v13;
	v21 =	vsel vm0, $0xFFFFFFFF, v2;
	v20 =	vld [tilespmem:s20+$0x10]  }
0x59: {  	v7 =	vadd.s32 v7, v15;
	v14 =	vor.u32 v36, v14;
	v12 =	vadd.s32 v21, v12;
	v21 =	vld [tilespmem:s20+$0x0]  }
0x5a: {  	v10 =	vadd.s32 v10, v11;
	v16 =	vor.u32 v38, v16;
	v22 =	vld [tilespmem:s20+$0xFFFFFFF0];
	v17 =	vmul.u32 $0x3FFFF7, v12  }
0x5b: {  	v15 =	vor.u32 v39, v8;
	v24 =	vor.u32 v40, v7;
	v25 =	vld [tilespmem:s20+$0xFFFFFFE0];
	v8 =	vshrl.u32 v12, $0x6  }
0x5c: {  	v11 =	vor.u32 v31, v10;
	v26 =	vld [tilespmem:s20+$0xFFFFFFD0];
	v7 =	vadd.s32 s29, v8;
	v9 =	vadd.s32 v9, v17  }
0x5d: {  	v17 =	vadd.s32 v27, v23;
	v29 =	vld.idx.msk [tilespmem:v13+s10+$0x0], $0xffff;
	v7 =	vshll.u32 v7, $0x7;
	v8 =	vshll.u32 v9, $0xA  }
0x5e: {  	s30 =	sor.u32 $0x70, s22;
	v30 =	vld.idx.msk [tilespmem:v14+s10+$0x0], $0xffff;
	v9 =	vand.u32 $0x3F, v12;
	v17 =	vor.u32 v41, v17;
	v10 =	vadd.s32 v7, v8  }
0x5f: {  	s31 =	sor.u32 $0x60, s22;
	v13 =	vmulhi.u32 $0x38E38E39, v5;
	v32 =	vld.idx.msk [tilespmem:v16+s10+$0x0], $0xffff;
	v7 =	vor.u32 s30, v1;
	v27 =	vor.u32 v9, v10  }
0x60: {  	s25 =	sor.u32 $0x50, s22;
	v33 =	vld.idx.msk [tilespmem:v15+s10+$0x0], $0xffff;
	v8 =	vor.u32 s31, v1;
	v31 =	vmulhi.u32 $0x38E38E39, v7  }
0x61: {  	v6 =	vimm.f32 $0.0e+00;
	s23 =	simm.s32 $0x8;
	s24 =	sor.u32 $0x40, s22;
	v34 =	vld.idx.msk [tilespmem:v24+s10+$0x0], $0xffff;
	v9 =	vor.u32 s25, v1;
	v10 =	vmulhi.u32 $0x38E38E39, v8  }
.LBB2_4:
0x62: {  	s23 =	sadd.s32 $0x8, s23;
	s25 =	sor.u32 $0x30, s22;
	v12 =	vor.u32 s24, v1;
	v23 =	vmulhi.u32 $0x38E38E39, v9;
	v35 =	vld.idx.msk [tilespmem:v11+s10+$0x0], $0xffff  }
0x63: {  	s24 =	sor.u32 $0x20, s22;
	s26 =	sshll.u32 s23, $0x2;
	p0 =	slt.u32 s23, $0x118;
	v14 =	vor.u32 s25, v1;
	v24 =	vmulhi.u32 $0x38E38E39, v12;
	v36 =	vld.idx.msk [tilespmem:v17+s10+$0x0], $0xffff  }
0x64: {  	v17 =	vmov s22;
	s25 =	sor.u32 $0x10, s22;
	v16 =	vor.u32 s24, v1;
	s22 =	sand.u32 $0xFFFFFF80, s26;
	v28 =	vmulhi.u32 $0x38E38E39, v14;
	v37 =	vld.idx.msk [tilespmem:v27+s10+$0x0], $0xffff  }
0x65: {  	v15 =	vor.u32 s25, v1;
	v27 =	vmulhi.u32 $0x38E38E39, v16;
	v11 =	vor.u32 s22, v1;
	v38 =	vld [tilespmem:s20+$0xFFFFFFC0]  }
0x66: {  	vm0 =	veq.s32 v17, v1;
	v17 =	vsub.s32 $0x0, v5;
	v39 =	vmulhi.u32 $0x38E38E39, v15  }
0x67: {  	v13 =	vshrl.u32 v13, $0x1;
	v29 =	vsub.f32 v18, v29;
	v19 =	vsub.f32 v19, v30  }
0x68: {  	v18 =	vshrl.u32 v31, $0x7;
	v20 =	vsub.f32 v20, v32;
	v21 =	vsub.f32 v21, v33  }
0x69: {  	v30 =	vshrl.u32 v10, $0x7;
	v22 =	vsub.f32 v22, v34;
	v25 =	vsub.f32 v25, v35  }
0x6a: {  	v31 =	vshrl.u32 v31, $0x1;
	v26 =	vsub.f32 v26, v36;
	v32 =	vsub.f32 v38, v37  }
0x6b: {  	v29 =	vand.u32 $0x7FFFFFFF, v29;
	v19 =	vand.u32 $0x7FFFFFFF, v19;
	v20 =	vand.u32 $0x7FFFFFFF, v20  }
0x6c: {  	s24 =	sand.u32 $0x3FFFFF80, s21;
	s21 =	smov.u32 s18;
	s18 =	smov.u32 s26;
	v21 =	vand.u32 $0x7FFFFFFF, v21;
	v22 =	vand.u32 $0x7FFFFFFF, v22;
	v32 =	vand.u32 $0x7FFFFFFF, v32  }
0x6d: {  	v35 =	vadd.f32 $-5.000000000e-01, v19;
	v25 =	vand.u32 $0x7FFFFFFF, v25;
	v33 =	vmul.f32 $5.000000000e-01, v32;
	v34 =	vld [tilespmem:s24+$0x3A80]  }
0x6e: {  	v36 =	vadd.f32 $-5.000000000e-01, v21;
	v26 =	vand.u32 $0x7FFFFFFF, v26;
	v37 =	vadd.f32 $-5.000000000e-01, v20  }
0x6f: {  	v40 =	vmul.f32 $5.000000000e-01, v26;
	v38 =	vadd.f32 $-5.000000000e-01, v32;
	v33 =	vmul.f32 v33, v32;
	v41 =	vld [tilespmem:s24+$0x3A90]  }
0x70: {  	v42 =	vadd.f32 $-5.000000000e-01, v22;
	vm1 =	vlt.f32 v32, $1.000000000e+00;
	v32 =	vadd.f32 $-5.000000000e-01, v26  }
0x71: {  	v33 =	vsel vm1, v33, v38;
	v38 =	vmul.f32 v40, v26;
	v40 =	vmul.f32 $5.000000000e-01, v25;
	v43 =	vld [tilespmem:s24+$0x3AA0]  }
0x72: {  	vm1 =	vlt.f32 v26, $1.000000000e+00;
	v26 =	vadd.f32 $-5.000000000e-01, v25;
	v33 =	vmul.f32 v33, v34  }
0x73: {  	v32 =	vsel vm1, v38, v32;
	v34 =	vmul.f32 v40, v25;
	v38 =	vmul.f32 $5.000000000e-01, v22;
	v40 =	vld [tilespmem:s24+$0x3AB0]  }
0x74: {  	vm1 =	vlt.f32 v25, $1.000000000e+00;
	v6 =	vadd.f32 v33, v6;
	v32 =	vmul.f32 v32, v41  }
0x75: {  	v33 =	vmul.f32 $5.000000000e-01, v21;
	v25 =	vsel vm1, v34, v26;
	v26 =	vmul.f32 v38, v22;
	v34 =	vld [tilespmem:s24+$0x3AC0]  }
0x76: {  	vm1 =	vlt.f32 v22, $1.000000000e+00;
	v6 =	vadd.f32 v32, v6;
	v25 =	vmul.f32 v25, v43  }
0x77: {  	v32 =	vmul.f32 $5.000000000e-01, v20;
	v22 =	vsel vm1, v26, v42;
	v26 =	vmul.f32 v33, v21;
	v33 =	vld [tilespmem:s24+$0x3AD0]  }
0x78: {  	vm1 =	vlt.f32 v21, $1.000000000e+00;
	v6 =	vadd.f32 v25, v6;
	v22 =	vmul.f32 v22, v40  }
0x79: {  	v25 =	vmul.f32 v32, v20;
	v21 =	vsel vm1, v26, v36;
	v26 =	vmul.f32 $5.000000000e-01, v19;
	v32 =	vld [tilespmem:s24+$0x3AE0]  }
0x7a: {  	vm1 =	vlt.f32 v20, $1.000000000e+00;
	v6 =	vadd.f32 v22, v6;
	v21 =	vmul.f32 v21, v34  }
0x7b: {  	v20 =	vsel vm1, v25, v37;
	v25 =	vmul.f32 $5.000000000e-01, v29;
	v22 =	vmul.f32 v26, v19;
	v26 =	vld [tilespmem:s24+$0x3AF0]  }
0x7c: {  	vm1 =	vlt.f32 v19, $1.000000000e+00;
	v6 =	vadd.f32 v21, v6;
	v20 =	vmul.f32 v20, v33  }
0x7d: {  	v21 =	vmul.f32 v25, v29;
	v19 =	vsel vm1, v22, v35;
	v22 =	vadd.f32 $-5.000000000e-01, v29  }
0x7e: {  	vm1 =	vlt.f32 v29, $1.000000000e+00;
	v6 =	vadd.f32 v20, v6;
	v19 =	vmul.f32 v19, v32  }
0x7f: {  	v10 =	vshrl.u32 v10, $0x1;
	v20 =	vshrl.u32 v23, $0x7;
	v21 =	vsel vm1, v21, v22  }
0x80: {  	v22 =	vshrl.u32 v24, $0x7;
	v6 =	vadd.f32 v19, v6;
	v19 =	vmul.f32 v21, v26  }
0x81: {  	v23 =	vshrl.u32 v23, $0x1;
	v24 =	vshrl.u32 v24, $0x1;
	v21 =	vshrl.u32 v28, $0x7  }
0x82: {  	v25 =	vshrl.u32 v27, $0x7;
	v26 =	vshrl.u32 v28, $0x1;
	v6 =	vadd.f32 v19, v6  }
0x83: {  	s19 =	sadd.s32 $0x2, s19;
	v27 =	vshrl.u32 v27, $0x1;
	v28 =	vshrl.u32 v39, $0x7;
	v19 =	vshrl.u32 v39, $0x1  }
0x84: {  	s24 =	sand.u32 $0x6, s19;
	v33 =	vand.u32 $0x3F, v31;
	v29 =	vmul.u32 $0xFFFFFFF7, v13;
	v32 =	vand.u32 $0x3F, v10  }
0x85: {  	v30 =	vadd.s32 s24, v30;
	v18 =	vadd.s32 s24, v18;
	v34 =	vand.u32 $0x3F, v23  }
0x86: {  	v31 =	vmul.u32 $0x3FFFF7, v31;
	v20 =	vadd.s32 s24, v20;
	v35 =	vand.u32 $0x3F, v24  }
0x87: {  	v10 =	vmul.u32 $0x3FFFF7, v10;
	v22 =	vadd.s32 s24, v22;
	v36 =	vand.u32 $0x3F, v26  }
0x88: {  	v37 =	vand.u32 $0x3F, v27;
	v23 =	vmul.u32 $0x3FFFF7, v23;
	v21 =	vadd.s32 s24, v21  }
0x89: {  	v25 =	vadd.s32 s24, v25;
	v24 =	vmul.u32 $0x3FFFF7, v24;
	v38 =	vand.u32 $0x3F, v19  }
0x8a: {  	v27 =	vmul.u32 $0x3FFFF7, v27;
	v28 =	vadd.s32 s24, v28;
	v26 =	vmul.u32 $0x3FFFF7, v26  }
0x8b: {  	v30 =	vshll.u32 v30, $0x7;
	v39 =	vshll.u32 v18, $0x7;
	v19 =	vmul.u32 $0x3FFFF7, v19  }
0x8c: {  	v20 =	vshll.u32 v20, $0x7;
	v22 =	vshll.u32 v22, $0x7;
	v21 =	vshll.u32 v21, $0x7  }
0x8d: {  	v25 =	vshll.u32 v25, $0x7;
	vm1 =	vne.s32 v29, v17;
	v17 =	vshll.u32 v28, $0x7  }
0x8e: {  	v7 =	vadd.s32 v7, v31;
	v8 =	vadd.s32 v8, v10;
	v9 =	vadd.s32 v9, v23  }
0x8f: {  	v10 =	vadd.s32 v16, v27;
	v12 =	vadd.s32 v12, v24;
	v14 =	vadd.s32 v14, v26  }
0x90: {  	v7 =	vshll.u32 v7, $0xA;
	vm0 =	vmand vm0, vm1;
	v15 =	vadd.s32 v15, v19  }
0x91: {  	s20 =	sadd.s32 $0x80, s20;
	v8 =	vshll.u32 v8, $0xA;
	v9 =	vshll.u32 v9, $0xA;
	v12 =	vshll.u32 v12, $0xA  }
0x92: {  	v10 =	vshll.u32 v10, $0xA;
	v14 =	vshll.u32 v14, $0xA;
	v15 =	vshll.u32 v15, $0xA;
	v18 =	vld [tilespmem:s20+$0x30]  }
0x93: {  	v16 =	vsel vm0, $0xFFFFFFFF, v2;
	v8 =	vadd.s32 v30, v8;
	v7 =	vadd.s32 v39, v7;
	v19 =	vld [tilespmem:s20+$0x20]  }
0x94: {  	v9 =	vadd.s32 v20, v9;
	v12 =	vadd.s32 v22, v12;
	v7 =	vor.u32 v33, v7;
	v20 =	vld [tilespmem:s20+$0x10]  }
0x95: {  	v13 =	vadd.s32 v16, v13;
	v8 =	vor.u32 v32, v8;
	v14 =	vadd.s32 v21, v14;
	v21 =	vld [tilespmem:s20+$0x0]  }
0x96: {  	v10 =	vadd.s32 v25, v10;
	v16 =	vmul.u32 $0x3FFFF7, v13;
	v9 =	vor.u32 v34, v9;
	v22 =	vld [tilespmem:s20+$0xFFFFFFF0]  }
0x97: {  	v23 =	vshrl.u32 v13, $0x6;
	v12 =	vor.u32 v35, v12;
	v15 =	vadd.s32 v17, v15;
	v25 =	vld [tilespmem:s20+$0xFFFFFFE0]  }
0x98: {  	v16 =	vadd.s32 v5, v16;
	v5 =	vmovc v11;
	v14 =	vor.u32 v36, v14;
	v17 =	vadd.s32 s24, v23;
	v26 =	vld [tilespmem:s20+$0xFFFFFFD0]  }
.Ltmp1:
0x99: {  	v11 =	vor.u32 v37, v10;
	v16 =	vshll.u32 v16, $0xA;
	v17 =	vshll.u32 v17, $0x7;
	v29 =	vld.idx.msk [tilespmem:v7+s10+$0x0], $0xffff;
	(pc) =	sbr.rel @p0 .LBB2_4-.Ltmp1, $4  }
0x9a: {  	v10 =	vand.u32 $0x3F, v13;
	s24 =	sor.u32 $0x70, s22;
	v16 =	vadd.s32 v17, v16;
	v17 =	vor.u32 v38, v15;
	v30 =	vld.idx.msk [tilespmem:v8+s10+$0x0], $0xffff  }
0x9b: {  	s25 =	sor.u32 $0x60, s22;
	v13 =	vmulhi.u32 $0x38E38E39, v5;
	v27 =	vor.u32 v10, v16;
	v7 =	vor.u32 s24, v1;
	v32 =	vld.idx.msk [tilespmem:v9+s10+$0x0], $0xffff  }
0x9c: {  	s26 =	sor.u32 $0x50, s22;
	v8 =	vor.u32 s25, v1;
	v31 =	vmulhi.u32 $0x38E38E39, v7;
	v33 =	vld.idx.msk [tilespmem:v12+s10+$0x0], $0xffff  }
0x9d: {  	s24 =	sor.u32 $0x40, s22;
	v9 =	vor.u32 s26, v1;
	v10 =	vmulhi.u32 $0x38E38E39, v8;
	v34 =	vld.idx.msk [tilespmem:v14+s10+$0x0], $0xffff  }
0x9e: {  	_ = 	snop  }
0x9f: {  	v15 =	vor.u32 s24, v1  }
0xa0: {  	s23 =	sor.u32 $0x30, s22;
	v23 =	vmulhi.u32 $0x38E38E39, v9;
	v14 =	vmov s22;
	v38 =	vsub.s32 $0x0, v5  }
0xa1: {  	s29 =	sor.u32 $0x20, s22;
	s30 =	sor.u32 $0x10, s22;
	v18 =	vsub.f32 v18, v29;
	v16 =	vor.u32 s23, v1;
	v24 =	vmulhi.u32 $0x38E38E39, v15  }
0xa2: {  	v12 =	vld.idx.msk [tilespmem:v17+s10+$0x0], $0xffff;
	v17 =	vor.u32 s29, v1;
	v35 =	vor.u32 s30, v1;
	vm0 =	veq.s32 v14, v1  }
0xa3: {  	v11 =	vld.idx.msk [tilespmem:v11+s10+$0x0], $0xffff;
	v14 =	vshrl.u32 v13, $0x1;
	v48 =	vsub.f32 v19, v30;
	v28 =	vmulhi.u32 $0x38E38E39, v16  }
0xa4: {  	v27 =	vld.idx.msk [tilespmem:v27+s10+$0x0], $0xffff;
	v19 =	vshrl.u32 v31, $0x7;
	v29 =	vshrl.u32 v10, $0x7;
	v36 =	vmulhi.u32 $0x38E38E39, v17  }
0xa5: {  	v37 =	vld [tilespmem:s20+$0xFFFFFFC0];
	s19 =	sadd.s32 $0x2, s19;
	v30 =	vshrl.u32 v31, $0x1;
	v47 =	vshrl.u32 v10, $0x1;
	v39 =	vmulhi.u32 $0x38E38E39, v35  }
0xa6: {  	s19 =	sand.u32 $0x6, s19;
	v20 =	vsub.f32 v20, v32;
	v46 =	vshrl.u32 v23, $0x7;
	v23 =	vshrl.u32 v23, $0x1  }
0xa7: {  	v29 =	vadd.s32 s19, v29;
	v19 =	vadd.s32 s19, v19;
	v10 =	vmul.u32 $0x3FFFF7, v47  }
0xa8: {  	v21 =	vsub.f32 v21, v33;
	v29 =	vshll.u32 v29, $0x7;
	v19 =	vshll.u32 v19, $0x7  }
0xa9: {  	v22 =	vsub.f32 v22, v34;
	v20 =	vand.u32 $0x7FFFFFFF, v20;
	v25 =	vsub.f32 v25, v11  }
0xaa: {  	v8 =	vadd.s32 v8, v10;
	v27 =	vsub.f32 v37, v27;
	v26 =	vsub.f32 v26, v12  }
0xab: {  	v12 =	vand.u32 $0x7FFFFFFF, v48;
	v11 =	vand.u32 $0x7FFFFFFF, v18;
	v21 =	vand.u32 $0x7FFFFFFF, v21  }
0xac: {  	v52 =	vadd.f32 $-5.000000000e-01, v20;
	v43 =	vmul.f32 $5.000000000e-01, v20;
	vm4 =	vlt.f32 v20, $1.000000000e+00  }
0xad: {  	v48 =	vshrl.u32 v24, $0x7;
	v24 =	vshrl.u32 v24, $0x1;
	v8 =	vshll.u32 v8, $0xA  }
0xae: {  	v22 =	vand.u32 $0x7FFFFFFF, v22;
	v13 =	vadd.f32 $-5.000000000e-01, v12;
	v51 =	vadd.f32 $-5.000000000e-01, v21  }
0xaf: {  	v63 =	vmul.f32 $5.000000000e-01, v21;
	vm15 =	vlt.f32 v21, $1.000000000e+00;
	v8 =	vadd.s32 v29, v8  }
0xb0: {  	v49 =	vand.u32 $0x7FFFFFFF, v27;
	v25 =	vand.u32 $0x7FFFFFFF, v25;
	v26 =	vand.u32 $0x7FFFFFFF, v26  }
0xb1: {  	v41 =	vadd.f32 $-5.000000000e-01, v22;
	v60 =	vmul.f32 $5.000000000e-01, v22;
	vm14 =	vlt.f32 v22, $1.000000000e+00  }
0xb2: {  	v45 =	vmul.f32 v43, v20;
	v27 =	vmul.f32 $5.000000000e-01, v49;
	v53 =	vadd.f32 $-5.000000000e-01, v49  }
0xb3: {  	v54 =	vmul.f32 $5.000000000e-01, v26;
	vm1 =	vlt.f32 v49, $1.000000000e+00;
	v55 =	vadd.f32 $-5.000000000e-01, v26  }
0xb4: {  	v57 =	vmul.f32 $5.000000000e-01, v25;
	vm12 =	vlt.f32 v26, $1.000000000e+00;
	v58 =	vadd.f32 $-5.000000000e-01, v25  }
0xb5: {  	s21 =	sand.u32 $0x3FFFFF80, s21;
	vm13 =	vlt.f32 v25, $1.000000000e+00;
	v62 =	vmul.f32 v60, v22;
	v20 =	vsel vm4, v45, v52  }
0xb6: {  	v61 =	vld [tilespmem:s21+$0x3AB0];
	v52 =	vshrl.u32 v39, $0x7;
	v27 =	vmul.f32 v27, v49;
	v56 =	vmul.f32 v54, v26  }
0xb7: {  	v59 =	vmul.f32 v57, v25;
	v49 =	vshrl.u32 v28, $0x7;
	v28 =	vshrl.u32 v28, $0x1  }
0xb8: {  	v54 =	vmul.u32 $0xFFFFFFF7, v14;
	v57 =	vand.u32 $0x3F, v23;
	v23 =	vmul.u32 $0x3FFFF7, v23  }
0xb9: {  	v50 =	vld [tilespmem:s21+$0x3A80];
	v32 =	vadd.s32 s19, v52;
	v22 =	vsel vm14, v62, v41;
	v26 =	vadd.s32 s19, v49  }
0xba: {  	v40 =	vld [tilespmem:s21+$0x3A90];
	v32 =	vshll.u32 v32, $0x7;
	v27 =	vsel vm1, v27, v53;
	v18 =	vsel vm12, v56, v55  }
0xbb: {  	v42 =	vld [tilespmem:s21+$0x3AA0];
	v25 =	vsel vm13, v59, v58;
	v44 =	vmul.f32 v22, v61;
	v53 =	vshrl.u32 v36, $0x1  }
0xbc: {  	v55 =	vand.u32 $0x3F, v47;
	v56 =	vand.u32 $0x3F, v30;
	v58 =	vand.u32 $0x3F, v24  }
0xbd: {  	v30 =	vmul.u32 $0x3FFFF7, v30;
	v59 =	vand.u32 $0x3F, v28;
	v22 =	vadd.s32 s19, v48  }
0xbe: {  	vm5 =	vne.s32 v54, v38;
	v24 =	vmul.u32 $0x3FFFF7, v24;
	v28 =	vmul.u32 $0x3FFFF7, v28  }
0xbf: {  	v26 =	vshll.u32 v26, $0x7;
	v27 =	vmul.f32 v27, v50;
	v18 =	vmul.f32 v18, v40  }
0xc0: {  	v62 =	vadd.s32 v9, v23;
	v40 =	vmul.f32 v25, v42;
	v42 =	vmul.f32 v63, v21  }
0xc1: {  	v25 =	vmul.f32 $5.000000000e-01, v12;
	v50 =	vshrl.u32 v36, $0x7;
	v60 =	vand.u32 $0x3F, v53  }
0xc2: {  	v33 =	vmul.u32 $0x3FFFF7, v53;
	v22 =	vshll.u32 v22, $0x7;
	vm0 =	vmand vm0, vm5  }
0xc3: {  	v8 =	vor.u32 v55, v8;
	v7 =	vadd.s32 v7, v30;
	v16 =	vadd.s32 v16, v28  }
0xc4: {  	v15 =	vadd.s32 v15, v24;
	v45 =	vsel vm0, $0xFFFFFFFF, v2;
	v6 =	vadd.f32 v27, v6  }
0xc5: {  	v34 =	vld [tilespmem:s21+$0x3AC0];
	v21 =	vsel vm15, v42, v51;
	v51 =	vshrl.u32 v39, $0x1;
	v27 =	vadd.s32 s19, v50  }
0xc6: {  	s31 =	sadd.s32 $0x80, s20;
	v43 =	vld [tilespmem:s21+$0x3AF0];
	v17 =	vadd.s32 v17, v33;
	v7 =	vshll.u32 v7, $0xA;
	v15 =	vshll.u32 v15, $0xA  }
0xc7: {  	v52 =	vld [tilespmem:s31+$0xFFFFFFE0];
	v16 =	vshll.u32 v16, $0xA;
	v14 =	vadd.s32 v45, v14;
	v61 =	vand.u32 $0x3F, v51  }
0xc8: {  	v47 =	vld [tilespmem:s31+$0x10];
	v31 =	vmul.u32 $0x3FFFF7, v51;
	v27 =	vshll.u32 v27, $0x7;
	v17 =	vshll.u32 v17, $0xA  }
0xc9: {  	v48 =	vld [tilespmem:s31+$0x0];
	v7 =	vadd.s32 v19, v7;
	v15 =	vadd.s32 v22, v15;
	v16 =	vadd.s32 v26, v16  }
0xca: {  	v63 =	vld [tilespmem:s21+$0x3AD0];
	v49 =	vmul.u32 $0x3FFFF7, v14;
	v51 =	vshrl.u32 v14, $0x6;
	v14 =	vand.u32 $0x3F, v14  }
0xcb: {  	v33 =	vld [tilespmem:s21+$0x3AE0];
	v6 =	vadd.f32 v18, v6;
	v18 =	vmul.f32 v21, v34;
	v21 =	vadd.s32 s19, v46  }
0xcc: {  	v50 =	vld [tilespmem:s31+$0xFFFFFFF0];
	v7 =	vor.u32 v56, v7;
	v17 =	vadd.s32 v27, v17;
	v15 =	vor.u32 v58, v15  }
0xcd: {  	v46 =	vld [tilespmem:s31+$0x20];
	v54 =	vadd.s32 s19, v51;
	v16 =	vor.u32 v59, v16;
	v53 =	vadd.s32 v5, v49  }
0xce: {  	v22 =	vshll.u32 v54, $0x7;
	v8 =	vld.idx.msk [tilespmem:v8+s10+$0x0], $0xffff;
	v6 =	vadd.f32 v40, v6;
	v5 =	vshll.u32 v53, $0xA  }
0xcf: {  	v38 =	vadd.s32 v35, v31;
	v17 =	vor.u32 v60, v17;
	v5 =	vadd.s32 v22, v5;
	v22 =	vld [tilespmem:s31+$0xFFFFFFC0]  }
0xd0: {  	v24 =	vshll.u32 v38, $0xA;
	v6 =	vadd.f32 v44, v6;
	v44 =	vld [tilespmem:s31+$0x30];
	v5 =	vor.u32 v14, v5  }
0xd1: {  	v9 =	vshll.u32 v62, $0xA;
	v21 =	vshll.u32 v21, $0x7;
	v24 =	vadd.s32 v32, v24;
	v7 =	vld.idx.msk [tilespmem:v7+s10+$0x0], $0xffff  }
0xd2: {  	vm6 =	vlt.f32 v12, $1.000000000e+00;
	v9 =	vadd.s32 v21, v9;
	v56 =	vor.u32 v61, v24;
	v59 =	vld.idx.msk [tilespmem:v15+s10+$0x0], $0xffff  }
0xd3: {  	v58 =	vmul.f32 $5.000000000e-01, v11;
	v9 =	vor.u32 v57, v9;
	v57 =	vmul.f32 v25, v12;
	v16 =	vld.idx.msk [tilespmem:v16+s10+$0x0], $0xffff  }
0xd4: {  	v10 =	vmul.f32 v20, v63;
	v6 =	vadd.f32 v18, v6;
	v63 =	vld.idx.msk [tilespmem:v17+s10+$0x0], $0xffff;
	v8 =	vsub.f32 v46, v8  }
0xd5: {  	v60 =	vmul.f32 v58, v11;
	v61 =	vadd.f32 $-5.000000000e-01, v11;
	v13 =	vsel vm6, v57, v13;
	v5 =	vld.idx.msk [tilespmem:v5+s10+$0x0], $0xffff  }
0xd6: {  	v55 =	vld [tilespmem:s31+$0xFFFFFFD0];
	v62 =	vmul.f32 v13, v33;
	v6 =	vadd.f32 v10, v6;
	v8 =	vand.u32 $0x7FFFFFFF, v8  }
0xd7: {  	vm7 =	vlt.f32 v11, $1.000000000e+00;
	v18 =	vld.idx.msk [tilespmem:v56+s10+$0x0], $0xffff;
	v28 =	vadd.f32 $-5.000000000e-01, v8  }
0xd8: {  	v17 =	vsel vm7, v60, v61;
	v9 =	vld.idx.msk [tilespmem:v9+s10+$0x0], $0xffff;
	v6 =	vadd.f32 v62, v6;
	v7 =	vsub.f32 v44, v7  }
0xd9: {  	v20 =	vmul.f32 v17, v43;
	v23 =	vsub.f32 v48, v59;
	v24 =	vsub.f32 v50, v16  }
0xda: {  	v53 =	vmul.f32 $5.000000000e-01, v8;
	v11 =	vsub.f32 v52, v63;
	v5 =	vsub.f32 v22, v5  }
0xdb: {  	v6 =	vadd.f32 v20, v6;
	v7 =	vand.u32 $0x7FFFFFFF, v7;
	v12 =	vand.u32 $0x7FFFFFFF, v24  }
0xdc: {  	s18 =	sand.u32 $0x3FFFFF80, s18;
	v10 =	vand.u32 $0x7FFFFFFF, v23;
	v25 =	vsub.f32 v55, v18;
	v5 =	vand.u32 $0x7FFFFFFF, v5  }
0xdd: {  	v27 =	vld [tilespmem:s18+$0x3A80];
	v9 =	vsub.f32 v47, v9;
	v11 =	vand.u32 $0x7FFFFFFF, v11;
	v26 =	vmul.f32 $5.000000000e-01, v5  }
0xde: {  	v29 =	vadd.f32 $-5.000000000e-01, v10;
	v35 =	vadd.f32 $-5.000000000e-01, v12;
	v13 =	vand.u32 $0x7FFFFFFF, v25  }
0xdf: {  	v33 =	vld [tilespmem:s18+$0x3A90];
	v31 =	vadd.f32 $-5.000000000e-01, v5;
	v32 =	vmul.f32 $5.000000000e-01, v13;
	v14 =	vmul.f32 v26, v5  }
0xe0: {  	v41 =	vmul.f32 $5.000000000e-01, v12;
	v37 =	vmul.f32 $5.000000000e-01, v11;
	vm8 =	vlt.f32 v5, $1.000000000e+00  }
0xe1: {  	v38 =	vld [tilespmem:s18+$0x3AA0];
	v34 =	vadd.f32 $-5.000000000e-01, v13;
	v36 =	vmul.f32 v32, v13;
	v14 =	vsel vm8, v14, v31  }
0xe2: {  	v44 =	vmul.f32 $5.000000000e-01, v10;
	vm9 =	vlt.f32 v13, $1.000000000e+00;
	v14 =	vmul.f32 v14, v27  }
0xe3: {  	v42 =	vld [tilespmem:s18+$0x3AB0];
	v39 =	vadd.f32 $-5.000000000e-01, v11;
	v40 =	vmul.f32 v37, v11;
	v5 =	vsel vm9, v36, v34  }
0xe4: {  	vm10 =	vlt.f32 v11, $1.000000000e+00;
	v5 =	vmul.f32 v5, v33;
	v6 =	vadd.f32 v14, v6  }
0xe5: {  	v45 =	vld [tilespmem:s18+$0x3AC0];
	vm11 =	vlt.f32 v12, $1.000000000e+00;
	v43 =	vmul.f32 v41, v12;
	v11 =	vsel vm10, v40, v39  }
0xe6: {  	v9 =	vand.u32 $0x7FFFFFFF, v9;
	v46 =	vmul.f32 v11, v38;
	v5 =	vadd.f32 v5, v6  }
0xe7: {  	v50 =	vld [tilespmem:s18+$0x3AD0];
	v48 =	vmul.f32 v44, v10;
	v49 =	vmul.f32 $5.000000000e-01, v9;
	v47 =	vsel vm11, v43, v35  }
0xe8: {  	vm12 =	vlt.f32 v10, $1.000000000e+00;
	v51 =	vmul.f32 v47, v42;
	v5 =	vadd.f32 v46, v5  }
0xe9: {  	v54 =	vld [tilespmem:s18+$0x3AE0];
	v30 =	vadd.f32 $-5.000000000e-01, v9;
	v10 =	vsel vm12, v48, v29;
	v52 =	vmul.f32 v49, v9  }
0xea: {  	vm13 =	vlt.f32 v9, $1.000000000e+00;
	v55 =	vmul.f32 v10, v45;
	v5 =	vadd.f32 v51, v5  }
0xeb: {  	v58 =	vld [tilespmem:s18+$0x3AF0];
	v56 =	vmul.f32 v53, v8;
	v57 =	vmul.f32 $5.000000000e-01, v7;
	v9 =	vsel vm13, v52, v30  }
0xec: {  	vm14 =	vlt.f32 v8, $1.000000000e+00;
	v59 =	vmul.f32 v9, v50;
	v5 =	vadd.f32 v55, v5  }
0xed: {  	v8 =	vsel vm14, v56, v28;
	v61 =	vadd.f32 $-5.000000000e-01, v7;
	v60 =	vmul.f32 v57, v7  }
0xee: {  	vm15 =	vlt.f32 v7, $1.000000000e+00;
	v62 =	vmul.f32 v8, v54;
	v5 =	vadd.f32 v59, v5  }
0xef: {  	v7 =	vsel vm15, v60, v61  }
0xf0: {  	v63 =	vmul.f32 v7, v58;
	v5 =	vadd.f32 v62, v5;
	_ =	sdelay $0x1  }
0xf1: {  	s17 =	sadd.s32 $0x1, s17;
	[tilespmem:$0x3F10] =	vst v3;
	v5 =	vadd.f32 v63, v5  }
0xf2: {  	p0 =	sne.s32 s17, s7;
	[tilespmem:$0x3F20] =	vst v4  }
.Ltmp2:
0xf3: {  	[tilespmem:$0x3F00] =	vst v5;
	(pc) =	sbr.rel @p0 .LBB2_1-.Ltmp2, $4  }
0xf4: {  	[hbm4b:s6+s2] =	stream.linear.scatter [tilespmem:s15], [sflag:$0x4], $0x80, $0x38;
	[tilespmem:$0x3F80] =	vst v63  }
0xf5: {  	_ =	swait.ge [sflag:s16], $0x80  }
0xf6: {  	[sflag:s16] =	ssyncset.done $0x0  }
0xf7: {  	[sflag:s16] =	ssyncadd.s32 $0xFFFFFF80  }
0xf8: {  	_ =	sfence.sel $0x180000  }
0xf9: {  	[bflag:$0x0] =	sbarrier.arrive $0xFFFF  }
0xfa: {  	p0 =	sne.s32 s0, $0x0;
	_ =	strace $0x90000047  }
0xfb: {  	s0 =	sadd.s32 @!p0 $0x100000, s1;
	[bflag:$0x2] =	sbarrier.arrive $0xFFFF  }
0xfc: {  	[sflag:s0] =	ssyncadd.tile.s32 @!p0 $0x1;
	_ =	shalt  }
.Lfunc_end2:
_tile_overlayer_lowered:
.L_overlay_start_2:
0xfd: {  	(tag) =	ssettag $0x2  }
0xfe: {  	s0 =	rddreg [dreg:$0x0];
	s2 =	stileid.u32  }
0xff: {  	s1 =	rddreg [dreg:$0x1];
	p0 =	sne.s32 s2, $0x0  }
0x100: {  	s3 =	rddreg [dreg:$0x2];
	[bflag:$0x3] =	sbarrier.arrive $0xFFFF;
	s2 =	simm.s32 @!p0 $0x1C04  }
0x101: {  	[timem:s3], [sflag:s2] =	dma.local @!p0 [hbm:s0], s1  }
0x102: {  	s0 =	simm.s32 @!p0 $0x4  }
0x103: {  	_ =	swait.ge @!p0 [sflag:s0], s1  }
0x104: {  	s1 =	ssub.s32 @!p0 $0x0, s1;
	[sflag:s0] =	ssyncset.done @!p0 $0x0  }
0x105: {  	[sflag:s0] =	ssyncadd.s32 @!p0 s1  }
0x106: {  	[bflag:$0x3] =	sbarrier.arrive $0xFFFF  }
0x107: {  	_ =	shalt  }

</sc_bundles>
